<compile_context>
chip_gen: v7x
topology: tpu7x:2x2x1
jax: 0.10.2.dev20260603
libtpu: 0.0.44.dev20260713+nightly
codegen_flags: <defaults>
</compile_context>

<pallas_src>
import jax
import jax.numpy as jnp
from jax import lax
from jax.experimental import pallas as pl
from jax.experimental.pallas import tpu as pltpu
from jax.experimental.pallas import tpu_sc as plsc

N = 10000
E = 320000
D_IN = 128
D_HID = 128
D_OUT = 64
DP = 144

NC = 2
NS = 16
NW = NC * NS
EPW = E // NW
CHUNK = 80
NCHUNK = EPW // CHUNK
ROWS_PER_TILE = N // NS


def _agg_body(h_hbm, src_hbm, dst_hbm, z_hbm, out_hbm,
              sidx_v, didx0, didx1, rows0, rows1, acc_sh,
              gsem0, gsem1, dsem0, dsem1):
    cid = lax.axis_index("c")
    sid = lax.axis_index("s")
    wid = sid * NC + cid

    pltpu.sync_copy(z_hbm, acc_sh.at[pl.ds(sid * ROWS_PER_TILE, ROWS_PER_TILE)])
    pltpu.sync_copy(src_hbm.at[wid], sidx_v)
    plsc.subcore_barrier()

    def start_chunk(c, buf, dbuf, gsem, dsem):
        pltpu.async_copy(h_hbm.at[sidx_v.at[c]], buf, gsem)
        pltpu.async_copy(dst_hbm.at[wid, c], dbuf, dsem)

    def wait_chunk(c, buf, dbuf, gsem, dsem):
        pltpu.make_async_copy(h_hbm.at[sidx_v.at[c]], buf, gsem).wait()
        pltpu.make_async_copy(dst_hbm.at[wid, c], dbuf, dsem).wait()

    def scatter(buf, dbuf):
        pltpu.sync_copy(buf, acc_sh.at[dbuf], add=True)

    start_chunk(0, rows0, didx0, gsem0, dsem0)

    def body(i, carry):
        c = 2 * i
        start_chunk(c + 1, rows1, didx1, gsem1, dsem1)
        wait_chunk(c, rows0, didx0, gsem0, dsem0)
        scatter(rows0, didx0)

        @pl.when(c + 2 < NCHUNK)
        def _():
            start_chunk(c + 2, rows0, didx0, gsem0, dsem0)

        wait_chunk(c + 1, rows1, didx1, gsem1, dsem1)
        scatter(rows1, didx1)
        return carry

    lax.fori_loop(0, NCHUNK // 2, body, 0)
    wait_chunk(NCHUNK - 1, rows0, didx0, gsem0, dsem0)
    scatter(rows0, didx0)

    plsc.subcore_barrier()
    pltpu.sync_copy(acc_sh.at[pl.ds(sid * ROWS_PER_TILE, ROWS_PER_TILE)],
                    out_hbm.at[cid, pl.ds(sid * ROWS_PER_TILE, ROWS_PER_TILE)])


def _make_agg():
    mesh = plsc.VectorSubcoreMesh(core_axis_name="c", subcore_axis_name="s")
    return pl.kernel(
        _agg_body,
        out_type=jax.ShapeDtypeStruct((NC, N, DP), jnp.float32),
        mesh=mesh,
        scratch_types=[
            pltpu.VMEM((NCHUNK, CHUNK), jnp.int32),
            pltpu.VMEM((CHUNK,), jnp.int32),
            pltpu.VMEM((CHUNK,), jnp.int32),
            pltpu.VMEM((CHUNK, DP), jnp.float32),
            pltpu.VMEM((CHUNK, DP), jnp.float32),
            pltpu.VMEM_SHARED((N, DP), jnp.float32),
            pltpu.SemaphoreType.DMA,
            pltpu.SemaphoreType.DMA,
            pltpu.SemaphoreType.DMA,
            pltpu.SemaphoreType.DMA,
        ],
        compiler_params=pltpu.CompilerParams(use_tc_tiling_on_sc=False),
    )


def _layer1_body(acc_ref, feats_ref, ws_ref, wn_ref, b_ref, out_ref):
    s = acc_ref[0] + acc_ref[1]
    deg = jnp.maximum(s[:, D_IN], 1.0)
    hn = s[:, :D_IN] / deg[:, None]
    h = (jnp.dot(feats_ref[...], ws_ref[...], preferred_element_type=jnp.float32)
         + jnp.dot(hn, wn_ref[...], preferred_element_type=jnp.float32)
         + b_ref[...])
    h = jnp.maximum(h, 0.0)
    col = lax.broadcasted_iota(jnp.int32, (h.shape[0], DP - D_IN), 1)
    pad = jnp.where(col == 0, 1.0, 0.0).astype(jnp.float32)
    out_ref[...] = jnp.concatenate([h, pad], axis=1)


def _layer2_body(acc_ref, h_ref, ws_ref, wn_ref, b_ref, out_ref):
    s = acc_ref[0] + acc_ref[1]
    deg = jnp.maximum(s[:, D_IN], 1.0)
    hn = s[:, :D_IN] / deg[:, None]
    out_ref[...] = (jnp.dot(h_ref[:, :D_IN], ws_ref[...],
                            preferred_element_type=jnp.float32)
                    + jnp.dot(hn, wn_ref[...],
                              preferred_element_type=jnp.float32)
                    + b_ref[...])


BLK = 1000


def _make_layer1():
    grid = (N // BLK,)
    return pl.pallas_call(
        _layer1_body,
        grid=grid,
        in_specs=[
            pl.BlockSpec((NC, BLK, DP), lambda i: (0, i, 0)),
            pl.BlockSpec((BLK, D_IN), lambda i: (i, 0)),
            pl.BlockSpec((D_IN, D_HID), lambda i: (0, 0)),
            pl.BlockSpec((D_IN, D_HID), lambda i: (0, 0)),
            pl.BlockSpec((1, D_HID), lambda i: (0, 0)),
        ],
        out_specs=pl.BlockSpec((BLK, DP), lambda i: (i, 0)),
        out_shape=jax.ShapeDtypeStruct((N, DP), jnp.float32),
    )


def _make_layer2():
    grid = (N // BLK,)
    return pl.pallas_call(
        _layer2_body,
        grid=grid,
        in_specs=[
            pl.BlockSpec((NC, BLK, DP), lambda i: (0, i, 0)),
            pl.BlockSpec((BLK, DP), lambda i: (i, 0)),
            pl.BlockSpec((D_HID, D_OUT), lambda i: (0, 0)),
            pl.BlockSpec((D_HID, D_OUT), lambda i: (0, 0)),
            pl.BlockSpec((1, D_OUT), lambda i: (0, 0)),
        ],
        out_specs=pl.BlockSpec((BLK, D_OUT), lambda i: (i, 0)),
        out_shape=jax.ShapeDtypeStruct((N, D_OUT), jnp.float32),
    )


@jax.jit
def kernel(feats, edge_index, Ws1, Wn1, b1, Ws2, Wn2, b2):
    src = edge_index[0].astype(jnp.int32).reshape(NW, NCHUNK, CHUNK)
    dst = edge_index[1].astype(jnp.int32).reshape(NW, NCHUNK, CHUNK)
    pad = jnp.concatenate(
        [jnp.ones((N, 1), jnp.float32), jnp.zeros((N, DP - D_IN - 1), jnp.float32)],
        axis=1)
    feats_p = jnp.concatenate([feats, pad], axis=1)
    zeros = jnp.zeros((ROWS_PER_TILE, DP), jnp.float32)

    agg = _make_agg()
    acc1 = agg(feats_p, src, dst, zeros)
    h1p = _make_layer1()(acc1, feats, Ws1, Wn1, b1.reshape(1, D_HID))
    acc2 = agg(h1p, src, dst, zeros)
    out = _make_layer2()(acc2, h1p, Ws2, Wn2, b2.reshape(1, D_OUT))
    return out

# --- scband reference (transcript-rebuilt; emitter-appended) ---
"""Pipeline reference for scband-my-graph-sage-25975962206239 (READ-ONLY COPY).

The authoritative reference and input builder live on the scoring server;
editing this copy changes nothing except your own understanding.
"""

import jax, jax.numpy as jnp
import numpy as np

N = 10000
E = 320000
D_IN = 128
D_HID = 128
D_OUT = 64

def setup_inputs(seed: int = 0) -> dict:
    key = jax.random.key(seed)
    k1, k2, k3, k4, k5, k6 = jax.random.split(key, 6)
    feats = jax.random.normal(k1, (N, D_IN), dtype=jnp.float32)
    edge_index = jax.random.randint(k2, (2, E), 0, N, dtype=jnp.int64)
    # Layer 1 (in_feats -> n_hidden): DGL SAGEConv mean has fc_self and fc_neigh, bias on fc_self output
    Ws1 = jax.random.normal(k3, (D_IN, D_HID), dtype=jnp.float32) * (1.0 / np.sqrt(D_IN))
    Wn1 = jax.random.normal(k4, (D_IN, D_HID), dtype=jnp.float32) * (1.0 / np.sqrt(D_IN))
    b1 = jnp.zeros((D_HID,), dtype=jnp.float32)
    # Layer 2 (n_hidden -> n_classes)
    Ws2 = jax.random.normal(k5, (D_HID, D_OUT), dtype=jnp.float32) * (1.0 / np.sqrt(D_HID))
    Wn2 = jax.random.normal(k6, (D_HID, D_OUT), dtype=jnp.float32) * (1.0 / np.sqrt(D_HID))
    b2 = jnp.zeros((D_OUT,), dtype=jnp.float32)
    return {"feats": feats, "edge_index": edge_index, "Ws1": Ws1, "Wn1": Wn1, "b1": b1, "Ws2": Ws2, "Wn2": Wn2, "b2": b2}

def _sage_conv(h, src, dst, Ws, Wn, b):
    # mean aggregation over incoming neighbors (dst receives from src)
    msgs = jnp.take(h, src, axis=0)                      # gather  [E, d]
    summed = jax.ops.segment_sum(msgs, dst, num_segments=N)  # scatter-add [N, d]
    deg = jax.ops.segment_sum(jnp.ones((src.shape[0],), dtype=h.dtype), dst, num_segments=N)
    h_neigh = summed / jnp.clip(deg, 1.0, None)[:, None]
    return h @ Ws + h_neigh @ Wn + b

def reference(feats, edge_index, Ws1, Wn1, b1, Ws2, Wn2, b2):
    src = edge_index[0]
    dst = edge_index[1]
    # n_layers = 2; same block (graph) reused for each layer (full-graph analogue of MFG blocks)
    h = _sage_conv(feats, src, dst, Ws1, Wn1, b1)
    h = jax.nn.relu(h)
    # dropout p=0.0 -> identity
    h = _sage_conv(h, src, dst, Ws2, Wn2, b2)
    return h

if __name__ == "__main__":
    import jax
    _d = setup_inputs()
    print(jax.jit(kernel)(*tuple(_d.values())))

</pallas_src>

<mosaic_0001>
#map = affine_map<(d0, d1) -> (0, 0)>
#map1 = affine_map<(d0, d1) -> (0, 0, 0)>
module attributes {stable_mosaic.version = 14 : i64} {
  func.func @_agg_body(%arg0: i32, %arg1: i32, %arg2: memref<10000x144xf32, #tpu.memory_space<hbm>>, %arg3: memref<32x125x80xi32, #tpu.memory_space<hbm>>, %arg4: memref<32x125x80xi32, #tpu.memory_space<hbm>>, %arg5: memref<625x144xf32, #tpu.memory_space<hbm>>, %arg6: memref<2x10000x144xf32, #tpu.memory_space<hbm>>, %arg7: memref<125x80xi32, #tpu.memory_space<vmem>>, %arg8: memref<80xi32, #tpu.memory_space<vmem>>, %arg9: memref<80xi32, #tpu.memory_space<vmem>>, %arg10: memref<80x144xf32, #tpu.memory_space<vmem>>, %arg11: memref<80x144xf32, #tpu.memory_space<vmem>>, %arg12: memref<10000x144xf32, #tpu.memory_space<vmem_shared>>, %arg13: memref<!tpu.dma_semaphore, #tpu.memory_space<semaphore_mem>>, %arg14: memref<!tpu.dma_semaphore, #tpu.memory_space<semaphore_mem>>, %arg15: memref<!tpu.dma_semaphore, #tpu.memory_space<semaphore_mem>>, %arg16: memref<!tpu.dma_semaphore, #tpu.memory_space<semaphore_mem>>) attributes {dimension_semantics = [#tpu.dimension_semantics<core_parallel>, #tpu.dimension_semantics<subcore_parallel>], iteration_bounds = array<i64: 2, 16>, scalar_prefetch = 0 : i64, scratch_operands = 10 : i64, tpu.core_type = #tpu.core_type<sc_vector_subcore>, window_params = [{transform_indices = #map}, {transform_indices = #map1}, {transform_indices = #map1}, {transform_indices = #map}, {transform_indices = #map1}]} {
    %mul3A = arith.constant 2 : i32
    %mul3A_0 = arith.muli %arg1, %mul3A : i32
    %add3A = arith.addi %mul3A_0, %arg0 : i32
    %mul3A_1 = arith.constant 625 : i32
    %mul3A_2 = arith.muli %arg1, %mul3A_1 : i32
    "tpu.region"() ({
      %run_scoped3A = tpu.sem_alloc : memref<!tpu.dma_semaphore, #tpu.memory_space<semaphore_mem>>
      %dma_start3A_39 = arith.constant 0 : i32
      %dma_start3A_40 = tpu.memref_slice %arg12[%mul3A_2, %dma_start3A_39] : memref<10000x144xf32, #tpu.memory_space<vmem_shared>> -> memref<625x144xf32, #tpu.memory_space<vmem_shared>>
      tpu.enqueue_dma source(%arg5 : memref<625x144xf32, #tpu.memory_space<hbm>>) target(%dma_start3A_40 : memref<625x144xf32, #tpu.memory_space<vmem_shared>>) target_semaphore(%run_scoped3A : memref<!tpu.dma_semaphore, #tpu.memory_space<semaphore_mem>>)
      %dma_wait3A_41 = arith.constant 0 : i32
      %dma_wait3A_42 = tpu.memref_slice %arg12[%mul3A_2, %dma_wait3A_41] : memref<10000x144xf32, #tpu.memory_space<vmem_shared>> -> memref<625x144xf32, #tpu.memory_space<vmem_shared>>
      tpu.wait_dma2 semaphore(%run_scoped3A : memref<!tpu.dma_semaphore, #tpu.memory_space<semaphore_mem>>) src(%arg5 : memref<625x144xf32, #tpu.memory_space<hbm>>) dst(%dma_wait3A_42 : memref<625x144xf32, #tpu.memory_space<vmem_shared>>)
      tpu.yield
    }) : () -> ()
    "tpu.region"() ({
      %run_scoped3A = tpu.sem_alloc : memref<!tpu.dma_semaphore, #tpu.memory_space<semaphore_mem>>
      %dma_start3A_39 = arith.constant 0 : i32
      %dma_start3A_40 = arith.constant 0 : i32
      %dma_start3A_41 = tpu.memref_slice %arg3[%add3A, %dma_start3A_39, %dma_start3A_40] : memref<32x125x80xi32, #tpu.memory_space<hbm>> -> memref<1x125x80xi32, #tpu.memory_space<hbm>>
      %dma_start3A_42 = tpu.memref_squeeze %dma_start3A_41 : memref<1x125x80xi32, #tpu.memory_space<hbm>> -> memref<125x80xi32, #tpu.memory_space<hbm>>
      %dma_start3A_43 = arith.constant 0 : i32
      %dma_start3A_44 = arith.constant 0 : i32
      %dma_start3A_45 = tpu.memref_slice %arg3[%add3A, %dma_start3A_43, %dma_start3A_44] : memref<32x125x80xi32, #tpu.memory_space<hbm>> -> memref<1x125x80xi32, #tpu.memory_space<hbm>>
      %dma_start3A_46 = tpu.memref_squeeze %dma_start3A_45 : memref<1x125x80xi32, #tpu.memory_space<hbm>> -> memref<125x80xi32, #tpu.memory_space<hbm>>
      tpu.enqueue_dma source(%dma_start3A_46 : memref<125x80xi32, #tpu.memory_space<hbm>>) target(%arg7 : memref<125x80xi32, #tpu.memory_space<vmem>>) target_semaphore(%run_scoped3A : memref<!tpu.dma_semaphore, #tpu.memory_space<semaphore_mem>>)
      %dma_wait3A_47 = arith.constant 0 : i32
      %dma_wait3A_48 = arith.constant 0 : i32
      %dma_wait3A_49 = tpu.memref_slice %arg3[%add3A, %dma_wait3A_47, %dma_wait3A_48] : memref<32x125x80xi32, #tpu.memory_space<hbm>> -> memref<1x125x80xi32, #tpu.memory_space<hbm>>
      %dma_wait3A_50 = tpu.memref_squeeze %dma_wait3A_49 : memref<1x125x80xi32, #tpu.memory_space<hbm>> -> memref<125x80xi32, #tpu.memory_space<hbm>>
      %dma_wait3A_51 = arith.constant 0 : i32
      %dma_wait3A_52 = arith.constant 0 : i32
      %dma_wait3A_53 = tpu.memref_slice %arg3[%add3A, %dma_wait3A_51, %dma_wait3A_52] : memref<32x125x80xi32, #tpu.memory_space<hbm>> -> memref<1x125x80xi32, #tpu.memory_space<hbm>>
      %dma_wait3A_54 = tpu.memref_squeeze %dma_wait3A_53 : memref<1x125x80xi32, #tpu.memory_space<hbm>> -> memref<125x80xi32, #tpu.memory_space<hbm>>
      tpu.wait_dma2 semaphore(%run_scoped3A : memref<!tpu.dma_semaphore, #tpu.memory_space<semaphore_mem>>) src(%dma_wait3A_54 : memref<125x80xi32, #tpu.memory_space<hbm>>) dst(%arg7 : memref<125x80xi32, #tpu.memory_space<vmem>>)
      tpu.yield
    }) : () -> ()
    %barrier3A = arith.constant 0 : index
    tpu.barrier barrier_id(%barrier3A)
    %dma_start3A = arith.constant 0 : i32
    %dma_start3A_3 = arith.constant 0 : i32
    %dma_start3A_4 = tpu.memref_slice %arg7[%dma_start3A, %dma_start3A_3] : memref<125x80xi32, #tpu.memory_space<vmem>> -> memref<1x80xi32, #tpu.memory_space<vmem>>
    %dma_start3A_5 = tpu.memref_squeeze %dma_start3A_4 : memref<1x80xi32, #tpu.memory_space<vmem>> -> memref<80xi32, #tpu.memory_space<vmem>>
    %dma_start3A_6 = arith.constant 0 : i32
    %dma_start3A_7 = arith.constant 0 : i32
    %dma_start3A_8 = tpu.memref_slice %arg2[%dma_start3A_6, %dma_start3A_7] : memref<10000x144xf32, #tpu.memory_space<hbm>> -> memref<10000x144xf32, #tpu.memory_space<hbm>>
    tpu.enqueue_indirect_dma source(%dma_start3A_8 : memref<10000x144xf32, #tpu.memory_space<hbm>>) target(%arg10 : memref<80x144xf32, #tpu.memory_space<vmem>>) offsets(%dma_start3A_5 : memref<80xi32, #tpu.memory_space<vmem>>) semaphore(%arg13 : memref<!tpu.dma_semaphore, #tpu.memory_space<semaphore_mem>>)
    %dma_start3A_9 = arith.constant 0 : i32
    %dma_start3A_10 = arith.constant 0 : i32
    %dma_start3A_11 = tpu.memref_slice %arg4[%add3A, %dma_start3A_9, %dma_start3A_10] : memref<32x125x80xi32, #tpu.memory_space<hbm>> -> memref<1x1x80xi32, #tpu.memory_space<hbm>>
    %dma_start3A_12 = tpu.memref_squeeze %dma_start3A_11 : memref<1x1x80xi32, #tpu.memory_space<hbm>> -> memref<80xi32, #tpu.memory_space<hbm>>
    %dma_start3A_13 = arith.constant 0 : i32
    %dma_start3A_14 = tpu.memref_slice %arg4[%add3A, %dma_start3A_9, %dma_start3A_13] : memref<32x125x80xi32, #tpu.memory_space<hbm>> -> memref<1x1x80xi32, #tpu.memory_space<hbm>>
    %dma_start3A_15 = tpu.memref_squeeze %dma_start3A_14 : memref<1x1x80xi32, #tpu.memory_space<hbm>> -> memref<80xi32, #tpu.memory_space<hbm>>
    tpu.enqueue_dma source(%dma_start3A_15 : memref<80xi32, #tpu.memory_space<hbm>>) target(%arg8 : memref<80xi32, #tpu.memory_space<vmem>>) target_semaphore(%arg15 : memref<!tpu.dma_semaphore, #tpu.memory_space<semaphore_mem>>)
    %scan3A = arith.constant 0 : i32
    %scan3A_16 = arith.constant 0 : i32
    %scan3A_17 = arith.constant 62 : i32
    %scan3A_18 = arith.addi %scan3A_16, %scan3A_17 : i32
    %scan3A_19 = arith.constant 1 : i32
    scf.for %scan3A_39 = %scan3A_16 to %scan3A_18 step %scan3A_19  : i32 {
      %mul3A_40 = arith.constant 2 : i32
      %mul3A_41 = arith.muli %mul3A_40, %scan3A_39 : i32
      %add3A_42 = arith.constant 1 : i32
      %add3A_43 = arith.addi %mul3A_41, %add3A_42 : i32
      %dma_start3A_44 = arith.constant 0 : i32
      %dma_start3A_45 = tpu.memref_slice %arg7[%add3A_43, %dma_start3A_44] : memref<125x80xi32, #tpu.memory_space<vmem>> -> memref<1x80xi32, #tpu.memory_space<vmem>>
      %dma_start3A_46 = tpu.memref_squeeze %dma_start3A_45 : memref<1x80xi32, #tpu.memory_space<vmem>> -> memref<80xi32, #tpu.memory_space<vmem>>
      %dma_start3A_47 = arith.constant 0 : i32
      %dma_start3A_48 = arith.constant 0 : i32
      %dma_start3A_49 = tpu.memref_slice %arg2[%dma_start3A_47, %dma_start3A_48] : memref<10000x144xf32, #tpu.memory_space<hbm>> -> memref<10000x144xf32, #tpu.memory_space<hbm>>
      tpu.enqueue_indirect_dma source(%dma_start3A_49 : memref<10000x144xf32, #tpu.memory_space<hbm>>) target(%arg11 : memref<80x144xf32, #tpu.memory_space<vmem>>) offsets(%dma_start3A_46 : memref<80xi32, #tpu.memory_space<vmem>>) semaphore(%arg14 : memref<!tpu.dma_semaphore, #tpu.memory_space<semaphore_mem>>)
      %dma_start3A_50 = arith.constant 0 : i32
      %dma_start3A_51 = tpu.memref_slice %arg4[%add3A, %add3A_43, %dma_start3A_50] : memref<32x125x80xi32, #tpu.memory_space<hbm>> -> memref<1x1x80xi32, #tpu.memory_space<hbm>>
      %dma_start3A_52 = tpu.memref_squeeze %dma_start3A_51 : memref<1x1x80xi32, #tpu.memory_space<hbm>> -> memref<80xi32, #tpu.memory_space<hbm>>
      %dma_start3A_53 = arith.constant 0 : i32
      %dma_start3A_54 = tpu.memref_slice %arg4[%add3A, %add3A_43, %dma_start3A_53] : memref<32x125x80xi32, #tpu.memory_space<hbm>> -> memref<1x1x80xi32, #tpu.memory_space<hbm>>
      %dma_start3A_55 = tpu.memref_squeeze %dma_start3A_54 : memref<1x1x80xi32, #tpu.memory_space<hbm>> -> memref<80xi32, #tpu.memory_space<hbm>>
      tpu.enqueue_dma source(%dma_start3A_55 : memref<80xi32, #tpu.memory_space<hbm>>) target(%arg9 : memref<80xi32, #tpu.memory_space<vmem>>) target_semaphore(%arg16 : memref<!tpu.dma_semaphore, #tpu.memory_space<semaphore_mem>>)
      %dma_wait3A_56 = arith.constant 0 : i32
      %dma_wait3A_57 = tpu.memref_slice %arg7[%mul3A_41, %dma_wait3A_56] : memref<125x80xi32, #tpu.memory_space<vmem>> -> memref<1x80xi32, #tpu.memory_space<vmem>>
      %dma_wait3A_58 = tpu.memref_squeeze %dma_wait3A_57 : memref<1x80xi32, #tpu.memory_space<vmem>> -> memref<80xi32, #tpu.memory_space<vmem>>
      %dma_wait3A_59 = arith.constant 0 : i32
      %dma_wait3A_60 = arith.constant 0 : i32
      %dma_wait3A_61 = tpu.memref_slice %arg2[%dma_wait3A_59, %dma_wait3A_60] : memref<10000x144xf32, #tpu.memory_space<hbm>> -> memref<10000x144xf32, #tpu.memory_space<hbm>>
      tpu.wait_indirect_dma semaphore(%arg13 : memref<!tpu.dma_semaphore, #tpu.memory_space<semaphore_mem>>) src(%dma_wait3A_61 : memref<10000x144xf32, #tpu.memory_space<hbm>>) dst(%arg10 : memref<80x144xf32, #tpu.memory_space<vmem>>)
      %dma_wait3A_62 = arith.constant 0 : i32
      %dma_wait3A_63 = tpu.memref_slice %arg4[%add3A, %mul3A_41, %dma_wait3A_62] : memref<32x125x80xi32, #tpu.memory_space<hbm>> -> memref<1x1x80xi32, #tpu.memory_space<hbm>>
      %dma_wait3A_64 = tpu.memref_squeeze %dma_wait3A_63 : memref<1x1x80xi32, #tpu.memory_space<hbm>> -> memref<80xi32, #tpu.memory_space<hbm>>
      %dma_wait3A_65 = arith.constant 0 : i32
      %dma_wait3A_66 = tpu.memref_slice %arg4[%add3A, %mul3A_41, %dma_wait3A_65] : memref<32x125x80xi32, #tpu.memory_space<hbm>> -> memref<1x1x80xi32, #tpu.memory_space<hbm>>
      %dma_wait3A_67 = tpu.memref_squeeze %dma_wait3A_66 : memref<1x1x80xi32, #tpu.memory_space<hbm>> -> memref<80xi32, #tpu.memory_space<hbm>>
      tpu.wait_dma2 semaphore(%arg15 : memref<!tpu.dma_semaphore, #tpu.memory_space<semaphore_mem>>) src(%dma_wait3A_67 : memref<80xi32, #tpu.memory_space<hbm>>) dst(%arg8 : memref<80xi32, #tpu.memory_space<vmem>>)
      "tpu.region"() ({
        %run_scoped3A = tpu.sem_alloc : memref<!tpu.dma_semaphore, #tpu.memory_space<semaphore_mem>>
        %dma_start3A_86 = arith.constant 0 : i32
        %dma_start3A_87 = arith.constant 0 : i32
        %dma_start3A_88 = tpu.memref_slice %arg12[%dma_start3A_86, %dma_start3A_87] : memref<10000x144xf32, #tpu.memory_space<vmem_shared>> -> memref<10000x144xf32, #tpu.memory_space<vmem_shared>>
        tpu.enqueue_indirect_dma source(%arg10 : memref<80x144xf32, #tpu.memory_space<vmem>>) target(%dma_start3A_88 : memref<10000x144xf32, #tpu.memory_space<vmem_shared>>) offsets(%arg8 : memref<80xi32, #tpu.memory_space<vmem>>) semaphore(%run_scoped3A : memref<!tpu.dma_semaphore, #tpu.memory_space<semaphore_mem>>) {add = true}
        %dma_wait3A_89 = arith.constant 0 : i32
        %dma_wait3A_90 = arith.constant 0 : i32
        %dma_wait3A_91 = tpu.memref_slice %arg12[%dma_wait3A_89, %dma_wait3A_90] : memref<10000x144xf32, #tpu.memory_space<vmem_shared>> -> memref<10000x144xf32, #tpu.memory_space<vmem_shared>>
        tpu.wait_indirect_dma semaphore(%run_scoped3A : memref<!tpu.dma_semaphore, #tpu.memory_space<semaphore_mem>>) src(%arg10 : memref<80x144xf32, #tpu.memory_space<vmem>>) dst(%dma_wait3A_91 : memref<10000x144xf32, #tpu.memory_space<vmem_shared>>)
        tpu.yield
      }) : () -> ()
      %add3A_68 = arith.constant 2 : i32
      %add3A_69 = arith.addi %mul3A_41, %add3A_68 : i32
      %lt3A = arith.constant 125 : i32
      %lt3A_70 = arith.cmpi slt, %add3A_69, %lt3A : i32
      %convert_element_type3A = arith.extui %lt3A_70 : i1 to i32
      %cond3A = arith.constant 0 : i32
      %cond3A_71 = arith.cmpi ne, %convert_element_type3A, %cond3A : i32
      scf.if %cond3A_71 {
        %add3A_86 = arith.constant 2 : i32
        %add3A_87 = arith.addi %mul3A_41, %add3A_86 : i32
        %dma_start3A_88 = arith.constant 0 : i32
        %dma_start3A_89 = tpu.memref_slice %arg7[%add3A_87, %dma_start3A_88] : memref<125x80xi32, #tpu.memory_space<vmem>> -> memref<1x80xi32, #tpu.memory_space<vmem>>
        %dma_start3A_90 = tpu.memref_squeeze %dma_start3A_89 : memref<1x80xi32, #tpu.memory_space<vmem>> -> memref<80xi32, #tpu.memory_space<vmem>>
        %dma_start3A_91 = arith.constant 0 : i32
        %dma_start3A_92 = arith.constant 0 : i32
        %dma_start3A_93 = tpu.memref_slice %arg2[%dma_start3A_91, %dma_start3A_92] : memref<10000x144xf32, #tpu.memory_space<hbm>> -> memref<10000x144xf32, #tpu.memory_space<hbm>>
        tpu.enqueue_indirect_dma source(%dma_start3A_93 : memref<10000x144xf32, #tpu.memory_space<hbm>>) target(%arg10 : memref<80x144xf32, #tpu.memory_space<vmem>>) offsets(%dma_start3A_90 : memref<80xi32, #tpu.memory_space<vmem>>) semaphore(%arg13 : memref<!tpu.dma_semaphore, #tpu.memory_space<semaphore_mem>>)
        %dma_start3A_94 = arith.constant 0 : i32
        %dma_start3A_95 = tpu.memref_slice %arg4[%add3A, %add3A_87, %dma_start3A_94] : memref<32x125x80xi32, #tpu.memory_space<hbm>> -> memref<1x1x80xi32, #tpu.memory_space<hbm>>
        %dma_start3A_96 = tpu.memref_squeeze %dma_start3A_95 : memref<1x1x80xi32, #tpu.memory_space<hbm>> -> memref<80xi32, #tpu.memory_space<hbm>>
        %dma_start3A_97 = arith.constant 0 : i32
        %dma_start3A_98 = tpu.memref_slice %arg4[%add3A, %add3A_87, %dma_start3A_97] : memref<32x125x80xi32, #tpu.memory_space<hbm>> -> memref<1x1x80xi32, #tpu.memory_space<hbm>>
        %dma_start3A_99 = tpu.memref_squeeze %dma_start3A_98 : memref<1x1x80xi32, #tpu.memory_space<hbm>> -> memref<80xi32, #tpu.memory_space<hbm>>
        tpu.enqueue_dma source(%dma_start3A_99 : memref<80xi32, #tpu.memory_space<hbm>>) target(%arg8 : memref<80xi32, #tpu.memory_space<vmem>>) target_semaphore(%arg15 : memref<!tpu.dma_semaphore, #tpu.memory_space<semaphore_mem>>)
      } else {
      }
      %add3A_72 = arith.constant 1 : i32
      %add3A_73 = arith.addi %mul3A_41, %add3A_72 : i32
      %dma_wait3A_74 = arith.constant 0 : i32
      %dma_wait3A_75 = tpu.memref_slice %arg7[%add3A_73, %dma_wait3A_74] : memref<125x80xi32, #tpu.memory_space<vmem>> -> memref<1x80xi32, #tpu.memory_space<vmem>>
      %dma_wait3A_76 = tpu.memref_squeeze %dma_wait3A_75 : memref<1x80xi32, #tpu.memory_space<vmem>> -> memref<80xi32, #tpu.memory_space<vmem>>
      %dma_wait3A_77 = arith.constant 0 : i32
      %dma_wait3A_78 = arith.constant 0 : i32
      %dma_wait3A_79 = tpu.memref_slice %arg2[%dma_wait3A_77, %dma_wait3A_78] : memref<10000x144xf32, #tpu.memory_space<hbm>> -> memref<10000x144xf32, #tpu.memory_space<hbm>>
      tpu.wait_indirect_dma semaphore(%arg14 : memref<!tpu.dma_semaphore, #tpu.memory_space<semaphore_mem>>) src(%dma_wait3A_79 : memref<10000x144xf32, #tpu.memory_space<hbm>>) dst(%arg11 : memref<80x144xf32, #tpu.memory_space<vmem>>)
      %dma_wait3A_80 = arith.constant 0 : i32
      %dma_wait3A_81 = tpu.memref_slice %arg4[%add3A, %add3A_73, %dma_wait3A_80] : memref<32x125x80xi32, #tpu.memory_space<hbm>> -> memref<1x1x80xi32, #tpu.memory_space<hbm>>
      %dma_wait3A_82 = tpu.memref_squeeze %dma_wait3A_81 : memref<1x1x80xi32, #tpu.memory_space<hbm>> -> memref<80xi32, #tpu.memory_space<hbm>>
      %dma_wait3A_83 = arith.constant 0 : i32
      %dma_wait3A_84 = tpu.memref_slice %arg4[%add3A, %add3A_73, %dma_wait3A_83] : memref<32x125x80xi32, #tpu.memory_space<hbm>> -> memref<1x1x80xi32, #tpu.memory_space<hbm>>
      %dma_wait3A_85 = tpu.memref_squeeze %dma_wait3A_84 : memref<1x1x80xi32, #tpu.memory_space<hbm>> -> memref<80xi32, #tpu.memory_space<hbm>>
      tpu.wait_dma2 semaphore(%arg16 : memref<!tpu.dma_semaphore, #tpu.memory_space<semaphore_mem>>) src(%dma_wait3A_85 : memref<80xi32, #tpu.memory_space<hbm>>) dst(%arg9 : memref<80xi32, #tpu.memory_space<vmem>>)
      "tpu.region"() ({
        %run_scoped3A = tpu.sem_alloc : memref<!tpu.dma_semaphore, #tpu.memory_space<semaphore_mem>>
        %dma_start3A_86 = arith.constant 0 : i32
        %dma_start3A_87 = arith.constant 0 : i32
        %dma_start3A_88 = tpu.memref_slice %arg12[%dma_start3A_86, %dma_start3A_87] : memref<10000x144xf32, #tpu.memory_space<vmem_shared>> -> memref<10000x144xf32, #tpu.memory_space<vmem_shared>>
        tpu.enqueue_indirect_dma source(%arg11 : memref<80x144xf32, #tpu.memory_space<vmem>>) target(%dma_start3A_88 : memref<10000x144xf32, #tpu.memory_space<vmem_shared>>) offsets(%arg9 : memref<80xi32, #tpu.memory_space<vmem>>) semaphore(%run_scoped3A : memref<!tpu.dma_semaphore, #tpu.memory_space<semaphore_mem>>) {add = true}
        %dma_wait3A_89 = arith.constant 0 : i32
        %dma_wait3A_90 = arith.constant 0 : i32
        %dma_wait3A_91 = tpu.memref_slice %arg12[%dma_wait3A_89, %dma_wait3A_90] : memref<10000x144xf32, #tpu.memory_space<vmem_shared>> -> memref<10000x144xf32, #tpu.memory_space<vmem_shared>>
        tpu.wait_indirect_dma semaphore(%run_scoped3A : memref<!tpu.dma_semaphore, #tpu.memory_space<semaphore_mem>>) src(%arg11 : memref<80x144xf32, #tpu.memory_space<vmem>>) dst(%dma_wait3A_91 : memref<10000x144xf32, #tpu.memory_space<vmem_shared>>)
        tpu.yield
      }) : () -> ()
    }
    %scan3A_20 = arith.constant 62 : i32
    %dma_wait3A = arith.constant 124 : i32
    %dma_wait3A_21 = arith.constant 0 : i32
    %dma_wait3A_22 = tpu.memref_slice %arg7[%dma_wait3A, %dma_wait3A_21] : memref<125x80xi32, #tpu.memory_space<vmem>> -> memref<1x80xi32, #tpu.memory_space<vmem>>
    %dma_wait3A_23 = tpu.memref_squeeze %dma_wait3A_22 : memref<1x80xi32, #tpu.memory_space<vmem>> -> memref<80xi32, #tpu.memory_space<vmem>>
    %dma_wait3A_24 = arith.constant 0 : i32
    %dma_wait3A_25 = arith.constant 0 : i32
    %dma_wait3A_26 = tpu.memref_slice %arg2[%dma_wait3A_24, %dma_wait3A_25] : memref<10000x144xf32, #tpu.memory_space<hbm>> -> memref<10000x144xf32, #tpu.memory_space<hbm>>
    tpu.wait_indirect_dma semaphore(%arg13 : memref<!tpu.dma_semaphore, #tpu.memory_space<semaphore_mem>>) src(%dma_wait3A_26 : memref<10000x144xf32, #tpu.memory_space<hbm>>) dst(%arg10 : memref<80x144xf32, #tpu.memory_space<vmem>>)
    %dma_wait3A_27 = arith.constant 124 : i32
    %dma_wait3A_28 = arith.constant 0 : i32
    %dma_wait3A_29 = tpu.memref_slice %arg4[%add3A, %dma_wait3A_27, %dma_wait3A_28] : memref<32x125x80xi32, #tpu.memory_space<hbm>> -> memref<1x1x80xi32, #tpu.memory_space<hbm>>
    %dma_wait3A_30 = tpu.memref_squeeze %dma_wait3A_29 : memref<1x1x80xi32, #tpu.memory_space<hbm>> -> memref<80xi32, #tpu.memory_space<hbm>>
    %dma_wait3A_31 = arith.constant 0 : i32
    %dma_wait3A_32 = tpu.memref_slice %arg4[%add3A, %dma_wait3A_27, %dma_wait3A_31] : memref<32x125x80xi32, #tpu.memory_space<hbm>> -> memref<1x1x80xi32, #tpu.memory_space<hbm>>
    %dma_wait3A_33 = tpu.memref_squeeze %dma_wait3A_32 : memref<1x1x80xi32, #tpu.memory_space<hbm>> -> memref<80xi32, #tpu.memory_space<hbm>>
    tpu.wait_dma2 semaphore(%arg15 : memref<!tpu.dma_semaphore, #tpu.memory_space<semaphore_mem>>) src(%dma_wait3A_33 : memref<80xi32, #tpu.memory_space<hbm>>) dst(%arg8 : memref<80xi32, #tpu.memory_space<vmem>>)
    "tpu.region"() ({
      %run_scoped3A = tpu.sem_alloc : memref<!tpu.dma_semaphore, #tpu.memory_space<semaphore_mem>>
      %dma_start3A_39 = arith.constant 0 : i32
      %dma_start3A_40 = arith.constant 0 : i32
      %dma_start3A_41 = tpu.memref_slice %arg12[%dma_start3A_39, %dma_start3A_40] : memref<10000x144xf32, #tpu.memory_space<vmem_shared>> -> memref<10000x144xf32, #tpu.memory_space<vmem_shared>>
      tpu.enqueue_indirect_dma source(%arg10 : memref<80x144xf32, #tpu.memory_space<vmem>>) target(%dma_start3A_41 : memref<10000x144xf32, #tpu.memory_space<vmem_shared>>) offsets(%arg8 : memref<80xi32, #tpu.memory_space<vmem>>) semaphore(%run_scoped3A : memref<!tpu.dma_semaphore, #tpu.memory_space<semaphore_mem>>) {add = true}
      %dma_wait3A_42 = arith.constant 0 : i32
      %dma_wait3A_43 = arith.constant 0 : i32
      %dma_wait3A_44 = tpu.memref_slice %arg12[%dma_wait3A_42, %dma_wait3A_43] : memref<10000x144xf32, #tpu.memory_space<vmem_shared>> -> memref<10000x144xf32, #tpu.memory_space<vmem_shared>>
      tpu.wait_indirect_dma semaphore(%run_scoped3A : memref<!tpu.dma_semaphore, #tpu.memory_space<semaphore_mem>>) src(%arg10 : memref<80x144xf32, #tpu.memory_space<vmem>>) dst(%dma_wait3A_44 : memref<10000x144xf32, #tpu.memory_space<vmem_shared>>)
      tpu.yield
    }) : () -> ()
    %barrier3A_34 = arith.constant 0 : index
    tpu.barrier barrier_id(%barrier3A_34)
    %mul3A_35 = arith.constant 625 : i32
    %mul3A_36 = arith.muli %arg1, %mul3A_35 : i32
    %mul3A_37 = arith.constant 625 : i32
    %mul3A_38 = arith.muli %arg1, %mul3A_37 : i32
    "tpu.region"() ({
      %run_scoped3A = tpu.sem_alloc : memref<!tpu.dma_semaphore, #tpu.memory_space<semaphore_mem>>
      %dma_start3A_39 = arith.constant 0 : i32
      %dma_start3A_40 = tpu.memref_slice %arg6[%arg0, %mul3A_38, %dma_start3A_39] : memref<2x10000x144xf32, #tpu.memory_space<hbm>> -> memref<1x625x144xf32, #tpu.memory_space<hbm>>
      %dma_start3A_41 = tpu.memref_squeeze %dma_start3A_40 : memref<1x625x144xf32, #tpu.memory_space<hbm>> -> memref<625x144xf32, #tpu.memory_space<hbm>>
      %dma_start3A_42 = arith.constant 0 : i32
      %dma_start3A_43 = tpu.memref_slice %arg12[%mul3A_36, %dma_start3A_42] : memref<10000x144xf32, #tpu.memory_space<vmem_shared>> -> memref<625x144xf32, #tpu.memory_space<vmem_shared>>
      tpu.enqueue_dma source(%dma_start3A_43 : memref<625x144xf32, #tpu.memory_space<vmem_shared>>) target(%dma_start3A_41 : memref<625x144xf32, #tpu.memory_space<hbm>>) target_semaphore(%run_scoped3A : memref<!tpu.dma_semaphore, #tpu.memory_space<semaphore_mem>>)
      %dma_wait3A_44 = arith.constant 0 : i32
      %dma_wait3A_45 = tpu.memref_slice %arg6[%arg0, %mul3A_38, %dma_wait3A_44] : memref<2x10000x144xf32, #tpu.memory_space<hbm>> -> memref<1x625x144xf32, #tpu.memory_space<hbm>>
      %dma_wait3A_46 = tpu.memref_squeeze %dma_wait3A_45 : memref<1x625x144xf32, #tpu.memory_space<hbm>> -> memref<625x144xf32, #tpu.memory_space<hbm>>
      %dma_wait3A_47 = arith.constant 0 : i32
      %dma_wait3A_48 = tpu.memref_slice %arg12[%mul3A_36, %dma_wait3A_47] : memref<10000x144xf32, #tpu.memory_space<vmem_shared>> -> memref<625x144xf32, #tpu.memory_space<vmem_shared>>
      tpu.wait_dma2 semaphore(%run_scoped3A : memref<!tpu.dma_semaphore, #tpu.memory_space<semaphore_mem>>) src(%dma_wait3A_48 : memref<625x144xf32, #tpu.memory_space<vmem_shared>>) dst(%dma_wait3A_46 : memref<625x144xf32, #tpu.memory_space<hbm>>)
      tpu.yield
    }) : () -> ()
    return
  }
}

#map = affine_map<(d0, d1) -> (0, 0)>
#map1 = affine_map<(d0, d1) -> (0, 0, 0)>
module attributes {stable_mosaic.version = 14 : i64} {
  func.func @_agg_body(%arg0: i32, %arg1: i32, %arg2: memref<10000x144xf32, #tpu.memory_space<hbm>>, %arg3: memref<32x125x80xi32, #tpu.memory_space<hbm>>, %arg4: memref<32x125x80xi32, #tpu.memory_space<hbm>>, %arg5: memref<625x144xf32, #tpu.memory_space<hbm>>, %arg6: memref<2x10000x144xf32, #tpu.memory_space<hbm>>, %arg7: memref<125x80xi32, #tpu.memory_space<vmem>>, %arg8: memref<80xi32, #tpu.memory_space<vmem>>, %arg9: memref<80xi32, #tpu.memory_space<vmem>>, %arg10: memref<80x144xf32, #tpu.memory_space<vmem>>, %arg11: memref<80x144xf32, #tpu.memory_space<vmem>>, %arg12: memref<10000x144xf32, #tpu.memory_space<vmem_shared>>, %arg13: memref<!tpu.dma_semaphore, #tpu.memory_space<semaphore_mem>>, %arg14: memref<!tpu.dma_semaphore, #tpu.memory_space<semaphore_mem>>, %arg15: memref<!tpu.dma_semaphore, #tpu.memory_space<semaphore_mem>>, %arg16: memref<!tpu.dma_semaphore, #tpu.memory_space<semaphore_mem>>) attributes {dimension_semantics = [#tpu.dimension_semantics<core_parallel>, #tpu.dimension_semantics<subcore_parallel>], iteration_bounds = array<i64: 2, 16>, scalar_prefetch = 0 : i64, scratch_operands = 10 : i64, tpu.core_type = #tpu.core_type<sc_vector_subcore>, window_params = [{transform_indices = #map}, {transform_indices = #map1}, {transform_indices = #map1}, {transform_indices = #map}, {transform_indices = #map1}]} {
    %mul3A = arith.constant 2 : i32
    %mul3A_0 = arith.muli %arg1, %mul3A : i32
    %add3A = arith.addi %mul3A_0, %arg0 : i32
    %mul3A_1 = arith.constant 625 : i32
    %mul3A_2 = arith.muli %arg1, %mul3A_1 : i32
    "tpu.region"() ({
      %run_scoped3A = tpu.sem_alloc : memref<!tpu.dma_semaphore, #tpu.memory_space<semaphore_mem>>
      %dma_start3A_39 = arith.constant 0 : i32
      %dma_start3A_40 = tpu.memref_slice %arg12[%mul3A_2, %dma_start3A_39] : memref<10000x144xf32, #tpu.memory_space<vmem_shared>> -> memref<625x144xf32, #tpu.memory_space<vmem_shared>>
      tpu.enqueue_dma source(%arg5 : memref<625x144xf32, #tpu.memory_space<hbm>>) target(%dma_start3A_40 : memref<625x144xf32, #tpu.memory_space<vmem_shared>>) target_semaphore(%run_scoped3A : memref<!tpu.dma_semaphore, #tpu.memory_space<semaphore_mem>>)
      %dma_wait3A_41 = arith.constant 0 : i32
      %dma_wait3A_42 = tpu.memref_slice %arg12[%mul3A_2, %dma_wait3A_41] : memref<10000x144xf32, #tpu.memory_space<vmem_shared>> -> memref<625x144xf32, #tpu.memory_space<vmem_shared>>
      tpu.wait_dma2 semaphore(%run_scoped3A : memref<!tpu.dma_semaphore, #tpu.memory_space<semaphore_mem>>) src(%arg5 : memref<625x144xf32, #tpu.memory_space<hbm>>) dst(%dma_wait3A_42 : memref<625x144xf32, #tpu.memory_space<vmem_shared>>)
      tpu.yield
    }) : () -> ()
    "tpu.region"() ({
      %run_scoped3A = tpu.sem_alloc : memref<!tpu.dma_semaphore, #tpu.memory_space<semaphore_mem>>
      %dma_start3A_39 = arith.constant 0 : i32
      %dma_start3A_40 = arith.constant 0 : i32
      %dma_start3A_41 = tpu.memref_slice %arg3[%add3A, %dma_start3A_39, %dma_start3A_40] : memref<32x125x80xi32, #tpu.memory_space<hbm>> -> memref<1x125x80xi32, #tpu.memory_space<hbm>>
      %dma_start3A_42 = tpu.memref_squeeze %dma_start3A_41 : memref<1x125x80xi32, #tpu.memory_space<hbm>> -> memref<125x80xi32, #tpu.memory_space<hbm>>
      %dma_start3A_43 = arith.constant 0 : i32
      %dma_start3A_44 = arith.constant 0 : i32
      %dma_start3A_45 = tpu.memref_slice %arg3[%add3A, %dma_start3A_43, %dma_start3A_44] : memref<32x125x80xi32, #tpu.memory_space<hbm>> -> memref<1x125x80xi32, #tpu.memory_space<hbm>>
      %dma_start3A_46 = tpu.memref_squeeze %dma_start3A_45 : memref<1x125x80xi32, #tpu.memory_space<hbm>> -> memref<125x80xi32, #tpu.memory_space<hbm>>
      tpu.enqueue_dma source(%dma_start3A_46 : memref<125x80xi32, #tpu.memory_space<hbm>>) target(%arg7 : memref<125x80xi32, #tpu.memory_space<vmem>>) target_semaphore(%run_scoped3A : memref<!tpu.dma_semaphore, #tpu.memory_space<semaphore_mem>>)
      %dma_wait3A_47 = arith.constant 0 : i32
      %dma_wait3A_48 = arith.constant 0 : i32
      %dma_wait3A_49 = tpu.memref_slice %arg3[%add3A, %dma_wait3A_47, %dma_wait3A_48] : memref<32x125x80xi32, #tpu.memory_space<hbm>> -> memref<1x125x80xi32, #tpu.memory_space<hbm>>
      %dma_wait3A_50 = tpu.memref_squeeze %dma_wait3A_49 : memref<1x125x80xi32, #tpu.memory_space<hbm>> -> memref<125x80xi32, #tpu.memory_space<hbm>>
      %dma_wait3A_51 = arith.constant 0 : i32
      %dma_wait3A_52 = arith.constant 0 : i32
      %dma_wait3A_53 = tpu.memref_slice %arg3[%add3A, %dma_wait3A_51, %dma_wait3A_52] : memref<32x125x80xi32, #tpu.memory_space<hbm>> -> memref<1x125x80xi32, #tpu.memory_space<hbm>>
      %dma_wait3A_54 = tpu.memref_squeeze %dma_wait3A_53 : memref<1x125x80xi32, #tpu.memory_space<hbm>> -> memref<125x80xi32, #tpu.memory_space<hbm>>
      tpu.wait_dma2 semaphore(%run_scoped3A : memref<!tpu.dma_semaphore, #tpu.memory_space<semaphore_mem>>) src(%dma_wait3A_54 : memref<125x80xi32, #tpu.memory_space<hbm>>) dst(%arg7 : memref<125x80xi32, #tpu.memory_space<vmem>>)
      tpu.yield
    }) : () -> ()
    %barrier3A = arith.constant 0 : index
    tpu.barrier barrier_id(%barrier3A)
    %dma_start3A = arith.constant 0 : i32
    %dma_start3A_3 = arith.constant 0 : i32
    %dma_start3A_4 = tpu.memref_slice %arg7[%dma_start3A, %dma_start3A_3] : memref<125x80xi32, #tpu.memory_space<vmem>> -> memref<1x80xi32, #tpu.memory_space<vmem>>
    %dma_start3A_5 = tpu.memref_squeeze %dma_start3A_4 : memref<1x80xi32, #tpu.memory_space<vmem>> -> memref<80xi32, #tpu.memory_space<vmem>>
    %dma_start3A_6 = arith.constant 0 : i32
    %dma_start3A_7 = arith.constant 0 : i32
    %dma_start3A_8 = tpu.memref_slice %arg2[%dma_start3A_6, %dma_start3A_7] : memref<10000x144xf32, #tpu.memory_space<hbm>> -> memref<10000x144xf32, #tpu.memory_space<hbm>>
    tpu.enqueue_indirect_dma source(%dma_start3A_8 : memref<10000x144xf32, #tpu.memory_space<hbm>>) target(%arg10 : memref<80x144xf32, #tpu.memory_space<vmem>>) offsets(%dma_start3A_5 : memref<80xi32, #tpu.memory_space<vmem>>) semaphore(%arg13 : memref<!tpu.dma_semaphore, #tpu.memory_space<semaphore_mem>>)
    %dma_start3A_9 = arith.constant 0 : i32
    %dma_start3A_10 = arith.constant 0 : i32
    %dma_start3A_11 = tpu.memref_slice %arg4[%add3A, %dma_start3A_9, %dma_start3A_10] : memref<32x125x80xi32, #tpu.memory_space<hbm>> -> memref<1x1x80xi32, #tpu.memory_space<hbm>>
    %dma_start3A_12 = tpu.memref_squeeze %dma_start3A_11 : memref<1x1x80xi32, #tpu.memory_space<hbm>> -> memref<80xi32, #tpu.memory_space<hbm>>
    %dma_start3A_13 = arith.constant 0 : i32
    %dma_start3A_14 = tpu.memref_slice %arg4[%add3A, %dma_start3A_9, %dma_start3A_13] : memref<32x125x80xi32, #tpu.memory_space<hbm>> -> memref<1x1x80xi32, #tpu.memory_space<hbm>>
    %dma_start3A_15 = tpu.memref_squeeze %dma_start3A_14 : memref<1x1x80xi32, #tpu.memory_space<hbm>> -> memref<80xi32, #tpu.memory_space<hbm>>
    tpu.enqueue_dma source(%dma_start3A_15 : memref<80xi32, #tpu.memory_space<hbm>>) target(%arg8 : memref<80xi32, #tpu.memory_space<vmem>>) target_semaphore(%arg15 : memref<!tpu.dma_semaphore, #tpu.memory_space<semaphore_mem>>)
    %scan3A = arith.constant 0 : i32
    %scan3A_16 = arith.constant 0 : i32
    %scan3A_17 = arith.constant 62 : i32
    %scan3A_18 = arith.addi %scan3A_16, %scan3A_17 : i32
    %scan3A_19 = arith.constant 1 : i32
    scf.for %scan3A_39 = %scan3A_16 to %scan3A_18 step %scan3A_19  : i32 {
      %mul3A_40 = arith.constant 2 : i32
      %mul3A_41 = arith.muli %mul3A_40, %scan3A_39 : i32
      %add3A_42 = arith.constant 1 : i32
      %add3A_43 = arith.addi %mul3A_41, %add3A_42 : i32
      %dma_start3A_44 = arith.constant 0 : i32
      %dma_start3A_45 = tpu.memref_slice %arg7[%add3A_43, %dma_start3A_44] : memref<125x80xi32, #tpu.memory_space<vmem>> -> memref<1x80xi32, #tpu.memory_space<vmem>>
      %dma_start3A_46 = tpu.memref_squeeze %dma_start3A_45 : memref<1x80xi32, #tpu.memory_space<vmem>> -> memref<80xi32, #tpu.memory_space<vmem>>
      %dma_start3A_47 = arith.constant 0 : i32
      %dma_start3A_48 = arith.constant 0 : i32
      %dma_start3A_49 = tpu.memref_slice %arg2[%dma_start3A_47, %dma_start3A_48] : memref<10000x144xf32, #tpu.memory_space<hbm>> -> memref<10000x144xf32, #tpu.memory_space<hbm>>
      tpu.enqueue_indirect_dma source(%dma_start3A_49 : memref<10000x144xf32, #tpu.memory_space<hbm>>) target(%arg11 : memref<80x144xf32, #tpu.memory_space<vmem>>) offsets(%dma_start3A_46 : memref<80xi32, #tpu.memory_space<vmem>>) semaphore(%arg14 : memref<!tpu.dma_semaphore, #tpu.memory_space<semaphore_mem>>)
      %dma_start3A_50 = arith.constant 0 : i32
      %dma_start3A_51 = tpu.memref_slice %arg4[%add3A, %add3A_43, %dma_start3A_50] : memref<32x125x80xi32, #tpu.memory_space<hbm>> -> memref<1x1x80xi32, #tpu.memory_space<hbm>>
      %dma_start3A_52 = tpu.memref_squeeze %dma_start3A_51 : memref<1x1x80xi32, #tpu.memory_space<hbm>> -> memref<80xi32, #tpu.memory_space<hbm>>
      %dma_start3A_53 = arith.constant 0 : i32
      %dma_start3A_54 = tpu.memref_slice %arg4[%add3A, %add3A_43, %dma_start3A_53] : memref<32x125x80xi32, #tpu.memory_space<hbm>> -> memref<1x1x80xi32, #tpu.memory_space<hbm>>
      %dma_start3A_55 = tpu.memref_squeeze %dma_start3A_54 : memref<1x1x80xi32, #tpu.memory_space<hbm>> -> memref<80xi32, #tpu.memory_space<hbm>>
      tpu.enqueue_dma source(%dma_start3A_55 : memref<80xi32, #tpu.memory_space<hbm>>) target(%arg9 : memref<80xi32, #tpu.memory_space<vmem>>) target_semaphore(%arg16 : memref<!tpu.dma_semaphore, #tpu.memory_space<semaphore_mem>>)
      %dma_wait3A_56 = arith.constant 0 : i32
      %dma_wait3A_57 = tpu.memref_slice %arg7[%mul3A_41, %dma_wait3A_56] : memref<125x80xi32, #tpu.memory_space<vmem>> -> memref<1x80xi32, #tpu.memory_space<vmem>>
      %dma_wait3A_58 = tpu.memref_squeeze %dma_wait3A_57 : memref<1x80xi32, #tpu.memory_space<vmem>> -> memref<80xi32, #tpu.memory_space<vmem>>
      %dma_wait3A_59 = arith.constant 0 : i32
      %dma_wait3A_60 = arith.constant 0 : i32
      %dma_wait3A_61 = tpu.memref_slice %arg2[%dma_wait3A_59, %dma_wait3A_60] : memref<10000x144xf32, #tpu.memory_space<hbm>> -> memref<10000x144xf32, #tpu.memory_space<hbm>>
      tpu.wait_indirect_dma semaphore(%arg13 : memref<!tpu.dma_semaphore, #tpu.memory_space<semaphore_mem>>) src(%dma_wait3A_61 : memref<10000x144xf32, #tpu.memory_space<hbm>>) dst(%arg10 : memref<80x144xf32, #tpu.memory_space<vmem>>)
      %dma_wait3A_62 = arith.constant 0 : i32
      %dma_wait3A_63 = tpu.memref_slice %arg4[%add3A, %mul3A_41, %dma_wait3A_62] : memref<32x125x80xi32, #tpu.memory_space<hbm>> -> memref<1x1x80xi32, #tpu.memory_space<hbm>>
      %dma_wait3A_64 = tpu.memref_squeeze %dma_wait3A_63 : memref<1x1x80xi32, #tpu.memory_space<hbm>> -> memref<80xi32, #tpu.memory_space<hbm>>
      %dma_wait3A_65 = arith.constant 0 : i32
      %dma_wait3A_66 = tpu.memref_slice %arg4[%add3A, %mul3A_41, %dma_wait3A_65] : memref<32x125x80xi32, #tpu.memory_space<hbm>> -> memref<1x1x80xi32, #tpu.memory_space<hbm>>
      %dma_wait3A_67 = tpu.memref_squeeze %dma_wait3A_66 : memref<1x1x80xi32, #tpu.memory_space<hbm>> -> memref<80xi32, #tpu.memory_space<hbm>>
      tpu.wait_dma2 semaphore(%arg15 : memref<!tpu.dma_semaphore, #tpu.memory_space<semaphore_mem>>) src(%dma_wait3A_67 : memref<80xi32, #tpu.memory_space<hbm>>) dst(%arg8 : memref<80xi32, #tpu.memory_space<vmem>>)
      "tpu.region"() ({
        %run_scoped3A = tpu.sem_alloc : memref<!tpu.dma_semaphore, #tpu.memory_space<semaphore_mem>>
        %dma_start3A_86 = arith.constant 0 : i32
        %dma_start3A_87 = arith.constant 0 : i32
        %dma_start3A_88 = tpu.memref_slice %arg12[%dma_start3A_86, %dma_start3A_87] : memref<10000x144xf32, #tpu.memory_space<vmem_shared>> -> memref<10000x144xf32, #tpu.memory_space<vmem_shared>>
        tpu.enqueue_indirect_dma source(%arg10 : memref<80x144xf32, #tpu.memory_space<vmem>>) target(%dma_start3A_88 : memref<10000x144xf32, #tpu.memory_space<vmem_shared>>) offsets(%arg8 : memref<80xi32, #tpu.memory_space<vmem>>) semaphore(%run_scoped3A : memref<!tpu.dma_semaphore, #tpu.memory_space<semaphore_mem>>) {add = true}
        %dma_wait3A_89 = arith.constant 0 : i32
        %dma_wait3A_90 = arith.constant 0 : i32
        %dma_wait3A_91 = tpu.memref_slice %arg12[%dma_wait3A_89, %dma_wait3A_90] : memref<10000x144xf32, #tpu.memory_space<vmem_shared>> -> memref<10000x144xf32, #tpu.memory_space<vmem_shared>>
        tpu.wait_indirect_dma semaphore(%run_scoped3A : memref<!tpu.dma_semaphore, #tpu.memory_space<semaphore_mem>>) src(%arg10 : memref<80x144xf32, #tpu.memory_space<vmem>>) dst(%dma_wait3A_91 : memref<10000x144xf32, #tpu.memory_space<vmem_shared>>)
        tpu.yield
      }) : () -> ()
      %add3A_68 = arith.constant 2 : i32
      %add3A_69 = arith.addi %mul3A_41, %add3A_68 : i32
      %lt3A = arith.constant 125 : i32
      %lt3A_70 = arith.cmpi slt, %add3A_69, %lt3A : i32
      %convert_element_type3A = arith.extui %lt3A_70 : i1 to i32
      %cond3A = arith.constant 0 : i32
      %cond3A_71 = arith.cmpi ne, %convert_element_type3A, %cond3A : i32
      scf.if %cond3A_71 {
        %add3A_86 = arith.constant 2 : i32
        %add3A_87 = arith.addi %mul3A_41, %add3A_86 : i32
        %dma_start3A_88 = arith.constant 0 : i32
        %dma_start3A_89 = tpu.memref_slice %arg7[%add3A_87, %dma_start3A_88] : memref<125x80xi32, #tpu.memory_space<vmem>> -> memref<1x80xi32, #tpu.memory_space<vmem>>
        %dma_start3A_90 = tpu.memref_squeeze %dma_start3A_89 : memref<1x80xi32, #tpu.memory_space<vmem>> -> memref<80xi32, #tpu.memory_space<vmem>>
        %dma_start3A_91 = arith.constant 0 : i32
        %dma_start3A_92 = arith.constant 0 : i32
        %dma_start3A_93 = tpu.memref_slice %arg2[%dma_start3A_91, %dma_start3A_92] : memref<10000x144xf32, #tpu.memory_space<hbm>> -> memref<10000x144xf32, #tpu.memory_space<hbm>>
        tpu.enqueue_indirect_dma source(%dma_start3A_93 : memref<10000x144xf32, #tpu.memory_space<hbm>>) target(%arg10 : memref<80x144xf32, #tpu.memory_space<vmem>>) offsets(%dma_start3A_90 : memref<80xi32, #tpu.memory_space<vmem>>) semaphore(%arg13 : memref<!tpu.dma_semaphore, #tpu.memory_space<semaphore_mem>>)
        %dma_start3A_94 = arith.constant 0 : i32
        %dma_start3A_95 = tpu.memref_slice %arg4[%add3A, %add3A_87, %dma_start3A_94] : memref<32x125x80xi32, #tpu.memory_space<hbm>> -> memref<1x1x80xi32, #tpu.memory_space<hbm>>
        %dma_start3A_96 = tpu.memref_squeeze %dma_start3A_95 : memref<1x1x80xi32, #tpu.memory_space<hbm>> -> memref<80xi32, #tpu.memory_space<hbm>>
        %dma_start3A_97 = arith.constant 0 : i32
        %dma_start3A_98 = tpu.memref_slice %arg4[%add3A, %add3A_87, %dma_start3A_97] : memref<32x125x80xi32, #tpu.memory_space<hbm>> -> memref<1x1x80xi32, #tpu.memory_space<hbm>>
        %dma_start3A_99 = tpu.memref_squeeze %dma_start3A_98 : memref<1x1x80xi32, #tpu.memory_space<hbm>> -> memref<80xi32, #tpu.memory_space<hbm>>
        tpu.enqueue_dma source(%dma_start3A_99 : memref<80xi32, #tpu.memory_space<hbm>>) target(%arg8 : memref<80xi32, #tpu.memory_space<vmem>>) target_semaphore(%arg15 : memref<!tpu.dma_semaphore, #tpu.memory_space<semaphore_mem>>)
      } else {
      }
      %add3A_72 = arith.constant 1 : i32
      %add3A_73 = arith.addi %mul3A_41, %add3A_72 : i32
      %dma_wait3A_74 = arith.constant 0 : i32
      %dma_wait3A_75 = tpu.memref_slice %arg7[%add3A_73, %dma_wait3A_74] : memref<125x80xi32, #tpu.memory_space<vmem>> -> memref<1x80xi32, #tpu.memory_space<vmem>>
      %dma_wait3A_76 = tpu.memref_squeeze %dma_wait3A_75 : memref<1x80xi32, #tpu.memory_space<vmem>> -> memref<80xi32, #tpu.memory_space<vmem>>
      %dma_wait3A_77 = arith.constant 0 : i32
      %dma_wait3A_78 = arith.constant 0 : i32
      %dma_wait3A_79 = tpu.memref_slice %arg2[%dma_wait3A_77, %dma_wait3A_78] : memref<10000x144xf32, #tpu.memory_space<hbm>> -> memref<10000x144xf32, #tpu.memory_space<hbm>>
      tpu.wait_indirect_dma semaphore(%arg14 : memref<!tpu.dma_semaphore, #tpu.memory_space<semaphore_mem>>) src(%dma_wait3A_79 : memref<10000x144xf32, #tpu.memory_space<hbm>>) dst(%arg11 : memref<80x144xf32, #tpu.memory_space<vmem>>)
      %dma_wait3A_80 = arith.constant 0 : i32
      %dma_wait3A_81 = tpu.memref_slice %arg4[%add3A, %add3A_73, %dma_wait3A_80] : memref<32x125x80xi32, #tpu.memory_space<hbm>> -> memref<1x1x80xi32, #tpu.memory_space<hbm>>
      %dma_wait3A_82 = tpu.memref_squeeze %dma_wait3A_81 : memref<1x1x80xi32, #tpu.memory_space<hbm>> -> memref<80xi32, #tpu.memory_space<hbm>>
      %dma_wait3A_83 = arith.constant 0 : i32
      %dma_wait3A_84 = tpu.memref_slice %arg4[%add3A, %add3A_73, %dma_wait3A_83] : memref<32x125x80xi32, #tpu.memory_space<hbm>> -> memref<1x1x80xi32, #tpu.memory_space<hbm>>
      %dma_wait3A_85 = tpu.memref_squeeze %dma_wait3A_84 : memref<1x1x80xi32, #tpu.memory_space<hbm>> -> memref<80xi32, #tpu.memory_space<hbm>>
      tpu.wait_dma2 semaphore(%arg16 : memref<!tpu.dma_semaphore, #tpu.memory_space<semaphore_mem>>) src(%dma_wait3A_85 : memref<80xi32, #tpu.memory_space<hbm>>) dst(%arg9 : memref<80xi32, #tpu.memory_space<vmem>>)
      "tpu.region"() ({
        %run_scoped3A = tpu.sem_alloc : memref<!tpu.dma_semaphore, #tpu.memory_space<semaphore_mem>>
        %dma_start3A_86 = arith.constant 0 : i32
        %dma_start3A_87 = arith.constant 0 : i32
        %dma_start3A_88 = tpu.memref_slice %arg12[%dma_start3A_86, %dma_start3A_87] : memref<10000x144xf32, #tpu.memory_space<vmem_shared>> -> memref<10000x144xf32, #tpu.memory_space<vmem_shared>>
        tpu.enqueue_indirect_dma source(%arg11 : memref<80x144xf32, #tpu.memory_space<vmem>>) target(%dma_start3A_88 : memref<10000x144xf32, #tpu.memory_space<vmem_shared>>) offsets(%arg9 : memref<80xi32, #tpu.memory_space<vmem>>) semaphore(%run_scoped3A : memref<!tpu.dma_semaphore, #tpu.memory_space<semaphore_mem>>) {add = true}
        %dma_wait3A_89 = arith.constant 0 : i32
        %dma_wait3A_90 = arith.constant 0 : i32
        %dma_wait3A_91 = tpu.memref_slice %arg12[%dma_wait3A_89, %dma_wait3A_90] : memref<10000x144xf32, #tpu.memory_space<vmem_shared>> -> memref<10000x144xf32, #tpu.memory_space<vmem_shared>>
        tpu.wait_indirect_dma semaphore(%run_scoped3A : memref<!tpu.dma_semaphore, #tpu.memory_space<semaphore_mem>>) src(%arg11 : memref<80x144xf32, #tpu.memory_space<vmem>>) dst(%dma_wait3A_91 : memref<10000x144xf32, #tpu.memory_space<vmem_shared>>)
        tpu.yield
      }) : () -> ()
    }
    %scan3A_20 = arith.constant 62 : i32
    %dma_wait3A = arith.constant 124 : i32
    %dma_wait3A_21 = arith.constant 0 : i32
    %dma_wait3A_22 = tpu.memref_slice %arg7[%dma_wait3A, %dma_wait3A_21] : memref<125x80xi32, #tpu.memory_space<vmem>> -> memref<1x80xi32, #tpu.memory_space<vmem>>
    %dma_wait3A_23 = tpu.memref_squeeze %dma_wait3A_22 : memref<1x80xi32, #tpu.memory_space<vmem>> -> memref<80xi32, #tpu.memory_space<vmem>>
    %dma_wait3A_24 = arith.constant 0 : i32
    %dma_wait3A_25 = arith.constant 0 : i32
    %dma_wait3A_26 = tpu.memref_slice %arg2[%dma_wait3A_24, %dma_wait3A_25] : memref<10000x144xf32, #tpu.memory_space<hbm>> -> memref<10000x144xf32, #tpu.memory_space<hbm>>
    tpu.wait_indirect_dma semaphore(%arg13 : memref<!tpu.dma_semaphore, #tpu.memory_space<semaphore_mem>>) src(%dma_wait3A_26 : memref<10000x144xf32, #tpu.memory_space<hbm>>) dst(%arg10 : memref<80x144xf32, #tpu.memory_space<vmem>>)
    %dma_wait3A_27 = arith.constant 124 : i32
    %dma_wait3A_28 = arith.constant 0 : i32
    %dma_wait3A_29 = tpu.memref_slice %arg4[%add3A, %dma_wait3A_27, %dma_wait3A_28] : memref<32x125x80xi32, #tpu.memory_space<hbm>> -> memref<1x1x80xi32, #tpu.memory_space<hbm>>
    %dma_wait3A_30 = tpu.memref_squeeze %dma_wait3A_29 : memref<1x1x80xi32, #tpu.memory_space<hbm>> -> memref<80xi32, #tpu.memory_space<hbm>>
    %dma_wait3A_31 = arith.constant 0 : i32
    %dma_wait3A_32 = tpu.memref_slice %arg4[%add3A, %dma_wait3A_27, %dma_wait3A_31] : memref<32x125x80xi32, #tpu.memory_space<hbm>> -> memref<1x1x80xi32, #tpu.memory_space<hbm>>
    %dma_wait3A_33 = tpu.memref_squeeze %dma_wait3A_32 : memref<1x1x80xi32, #tpu.memory_space<hbm>> -> memref<80xi32, #tpu.memory_space<hbm>>
    tpu.wait_dma2 semaphore(%arg15 : memref<!tpu.dma_semaphore, #tpu.memory_space<semaphore_mem>>) src(%dma_wait3A_33 : memref<80xi32, #tpu.memory_space<hbm>>) dst(%arg8 : memref<80xi32, #tpu.memory_space<vmem>>)
    "tpu.region"() ({
      %run_scoped3A = tpu.sem_alloc : memref<!tpu.dma_semaphore, #tpu.memory_space<semaphore_mem>>
      %dma_start3A_39 = arith.constant 0 : i32
      %dma_start3A_40 = arith.constant 0 : i32
      %dma_start3A_41 = tpu.memref_slice %arg12[%dma_start3A_39, %dma_start3A_40] : memref<10000x144xf32, #tpu.memory_space<vmem_shared>> -> memref<10000x144xf32, #tpu.memory_space<vmem_shared>>
      tpu.enqueue_indirect_dma source(%arg10 : memref<80x144xf32, #tpu.memory_space<vmem>>) target(%dma_start3A_41 : memref<10000x144xf32, #tpu.memory_space<vmem_shared>>) offsets(%arg8 : memref<80xi32, #tpu.memory_space<vmem>>) semaphore(%run_scoped3A : memref<!tpu.dma_semaphore, #tpu.memory_space<semaphore_mem>>) {add = true}
      %dma_wait3A_42 = arith.constant 0 : i32
      %dma_wait3A_43 = arith.constant 0 : i32
      %dma_wait3A_44 = tpu.memref_slice %arg12[%dma_wait3A_42, %dma_wait3A_43] : memref<10000x144xf32, #tpu.memory_space<vmem_shared>> -> memref<10000x144xf32, #tpu.memory_space<vmem_shared>>
      tpu.wait_indirect_dma semaphore(%run_scoped3A : memref<!tpu.dma_semaphore, #tpu.memory_space<semaphore_mem>>) src(%arg10 : memref<80x144xf32, #tpu.memory_space<vmem>>) dst(%dma_wait3A_44 : memref<10000x144xf32, #tpu.memory_space<vmem_shared>>)
      tpu.yield
    }) : () -> ()
    %barrier3A_34 = arith.constant 0 : index
    tpu.barrier barrier_id(%barrier3A_34)
    %mul3A_35 = arith.constant 625 : i32
    %mul3A_36 = arith.muli %arg1, %mul3A_35 : i32
    %mul3A_37 = arith.constant 625 : i32
    %mul3A_38 = arith.muli %arg1, %mul3A_37 : i32
    "tpu.region"() ({
      %run_scoped3A = tpu.sem_alloc : memref<!tpu.dma_semaphore, #tpu.memory_space<semaphore_mem>>
      %dma_start3A_39 = arith.constant 0 : i32
      %dma_start3A_40 = tpu.memref_slice %arg6[%arg0, %mul3A_38, %dma_start3A_39] : memref<2x10000x144xf32, #tpu.memory_space<hbm>> -> memref<1x625x144xf32, #tpu.memory_space<hbm>>
      %dma_start3A_41 = tpu.memref_squeeze %dma_start3A_40 : memref<1x625x144xf32, #tpu.memory_space<hbm>> -> memref<625x144xf32, #tpu.memory_space<hbm>>
      %dma_start3A_42 = arith.constant 0 : i32
      %dma_start3A_43 = tpu.memref_slice %arg12[%mul3A_36, %dma_start3A_42] : memref<10000x144xf32, #tpu.memory_space<vmem_shared>> -> memref<625x144xf32, #tpu.memory_space<vmem_shared>>
      tpu.enqueue_dma source(%dma_start3A_43 : memref<625x144xf32, #tpu.memory_space<vmem_shared>>) target(%dma_start3A_41 : memref<625x144xf32, #tpu.memory_space<hbm>>) target_semaphore(%run_scoped3A : memref<!tpu.dma_semaphore, #tpu.memory_space<semaphore_mem>>)
      %dma_wait3A_44 = arith.constant 0 : i32
      %dma_wait3A_45 = tpu.memref_slice %arg6[%arg0, %mul3A_38, %dma_wait3A_44] : memref<2x10000x144xf32, #tpu.memory_space<hbm>> -> memref<1x625x144xf32, #tpu.memory_space<hbm>>
      %dma_wait3A_46 = tpu.memref_squeeze %dma_wait3A_45 : memref<1x625x144xf32, #tpu.memory_space<hbm>> -> memref<625x144xf32, #tpu.memory_space<hbm>>
      %dma_wait3A_47 = arith.constant 0 : i32
      %dma_wait3A_48 = tpu.memref_slice %arg12[%mul3A_36, %dma_wait3A_47] : memref<10000x144xf32, #tpu.memory_space<vmem_shared>> -> memref<625x144xf32, #tpu.memory_space<vmem_shared>>
      tpu.wait_dma2 semaphore(%run_scoped3A : memref<!tpu.dma_semaphore, #tpu.memory_space<semaphore_mem>>) src(%dma_wait3A_48 : memref<625x144xf32, #tpu.memory_space<vmem_shared>>) dst(%dma_wait3A_46 : memref<625x144xf32, #tpu.memory_space<hbm>>)
      tpu.yield
    }) : () -> ()
    return
  }
}

module attributes {stable_mosaic.version = 14 : i64} {
  func.func @_layer1_body(%arg0: i32, %arg1: memref<2x1000x144xf32, #tpu.memory_space<vmem>>, %arg2: memref<1000x128xf32, #tpu.memory_space<vmem>>, %arg3: memref<128x128xf32, #tpu.memory_space<vmem>>, %arg4: memref<128x128xf32, #tpu.memory_space<vmem>>, %arg5: memref<1x128xf32, #tpu.memory_space<vmem>>, %arg6: memref<1000x144xf32, #tpu.memory_space<vmem>>) attributes {dimension_semantics = [#tpu.dimension_semantics<arbitrary>], iteration_bounds = array<i64: 10>, scalar_prefetch = 0 : i64, scratch_operands = 0 : i64, tpu.core_type = #tpu.core_type<tc>, window_params = [{transform_indices = @transform_0, window_bounds = array<i64: 2, 1000, 144>}, {transform_indices = @transform_1, window_bounds = array<i64: 1000, 128>}, {pipeline_mode = #tpu.pipeline_mode<synchronous>, transform_indices = @transform_2, window_bounds = array<i64: 128, 128>}, {pipeline_mode = #tpu.pipeline_mode<synchronous>, transform_indices = @transform_3, window_bounds = array<i64: 128, 128>}, {pipeline_mode = #tpu.pipeline_mode<synchronous>, transform_indices = @transform_4, window_bounds = array<i64: 1, 128>}, {transform_indices = @transform_5, window_bounds = array<i64: 1000, 144>}]} {
    %get3A = arith.constant 0 : index
    %get3A_0 = arith.constant 0 : index
    %get3A_1 = arith.constant 0 : index
    %get3A_2 = vector.load %arg1[%get3A, %get3A_0, %get3A_1] : memref<2x1000x144xf32, #tpu.memory_space<vmem>>, vector<1x1000x144xf32>
    %get3A_3 = vector.shape_cast %get3A_2 : vector<1x1000x144xf32> to vector<1000x144xf32>
    %get3A_4 = arith.constant 1 : index
    %get3A_5 = arith.constant 0 : index
    %get3A_6 = arith.constant 0 : index
    %get3A_7 = vector.load %arg1[%get3A_4, %get3A_5, %get3A_6] : memref<2x1000x144xf32, #tpu.memory_space<vmem>>, vector<1x1000x144xf32>
    %get3A_8 = vector.shape_cast %get3A_7 : vector<1x1000x144xf32> to vector<1000x144xf32>
    %add3A = arith.addf %get3A_3, %get3A_8 : vector<1000x144xf32>
    %slice3A = vector.extract_strided_slice %add3A {offsets = [0, 128], sizes = [1000, 1], strides = [1, 1]} : vector<1000x144xf32> to vector<1000x1xf32>
    %squeeze3A = vector.shape_cast %slice3A : vector<1000x1xf32> to vector<1000xf32>
    %max3A = arith.constant 1.000000e+00 : f32
    %max3A_9 = vector.broadcast %max3A : f32 to vector<1000xf32>
    %max3A_10 = arith.maximumf %squeeze3A, %max3A_9 : vector<1000xf32>
    %slice3A_11 = vector.extract_strided_slice %add3A {offsets = [0, 0], sizes = [1000, 128], strides = [1, 1]} : vector<1000x144xf32> to vector<1000x128xf32>
    %broadcast_in_dim3A = vector.shape_cast %max3A_10 : vector<1000xf32> to vector<1000x1xf32>
    %div3A = vector.broadcast %broadcast_in_dim3A : vector<1000x1xf32> to vector<1000x128xf32>
    %div3A_12 = arith.divf %slice3A_11, %div3A : vector<1000x128xf32>
    %get3A_13 = arith.constant 0 : index
    %get3A_14 = arith.constant 0 : index
    %get3A_15 = vector.load %arg2[%get3A_13, %get3A_14] : memref<1000x128xf32, #tpu.memory_space<vmem>>, vector<1000x128xf32>
    %get3A_16 = arith.constant 0 : index
    %get3A_17 = arith.constant 0 : index
    %get3A_18 = vector.load %arg3[%get3A_16, %get3A_17] : memref<128x128xf32, #tpu.memory_space<vmem>>, vector<128x128xf32>
    %dot_general3A = arith.constant dense<0.000000e+00> : vector<1000x128xf32>
    %dot_general3A_19 = tpu.matmul %get3A_15, %get3A_18, %dot_general3A {dimension_numbers = #tpu.dot_dimension_numbers<[1], [0], [0], [1], [0, 0, 1, 1], [], []>, transpose_lhs_hint = false} : vector<1000x128xf32>, vector<128x128xf32>, vector<1000x128xf32> -> vector<1000x128xf32>
    %get3A_20 = arith.constant 0 : index
    %get3A_21 = arith.constant 0 : index
    %get3A_22 = vector.load %arg4[%get3A_20, %get3A_21] : memref<128x128xf32, #tpu.memory_space<vmem>>, vector<128x128xf32>
    %dot_general3A_23 = arith.constant dense<0.000000e+00> : vector<1000x128xf32>
    %dot_general3A_24 = tpu.matmul %div3A_12, %get3A_22, %dot_general3A_23 {dimension_numbers = #tpu.dot_dimension_numbers<[1], [0], [0], [1], [0, 0, 1, 1], [], []>, transpose_lhs_hint = false} : vector<1000x128xf32>, vector<128x128xf32>, vector<1000x128xf32> -> vector<1000x128xf32>
    %add3A_25 = arith.addf %dot_general3A_19, %dot_general3A_24 : vector<1000x128xf32>
    %get3A_26 = arith.constant 0 : index
    %get3A_27 = arith.constant 0 : index
    %get3A_28 = vector.load %arg5[%get3A_26, %get3A_27] : memref<1x128xf32, #tpu.memory_space<vmem>>, vector<1x128xf32>
    %add3A_29 = vector.broadcast %get3A_28 : vector<1x128xf32> to vector<1000x128xf32>
    %add3A_30 = arith.addf %add3A_25, %add3A_29 : vector<1000x128xf32>
    %max3A_31 = arith.constant 0.000000e+00 : f32
    %max3A_32 = vector.broadcast %max3A_31 : f32 to vector<1000x128xf32>
    %max3A_33 = arith.maximumf %add3A_30, %max3A_32 : vector<1000x128xf32>
    %iota3A = tpu.iota {dimensions = array<i32: 1>} : vector<1000x16xi32>
    %eq3A = arith.constant 0 : i32
    %eq3A_34 = vector.broadcast %eq3A : i32 to vector<1000x16xi32>
    %eq3A_35 = arith.cmpi eq, %iota3A, %eq3A_34 : vector<1000x16xi32>
    %jit3A = arith.constant 1.000000e+00 : f32
    %jit3A_36 = arith.constant 0.000000e+00 : f32
    %broadcast_in_dim3A_37 = vector.broadcast %jit3A : f32 to vector<1000x16xf32>
    %broadcast_in_dim3A_38 = vector.broadcast %jit3A_36 : f32 to vector<1000x16xf32>
    %select_n3A = arith.select %eq3A_35, %broadcast_in_dim3A_37, %broadcast_in_dim3A_38 : vector<1000x16xi1>, vector<1000x16xf32>
    %concatenate3A = tpu.concatenate %max3A_33, %select_n3A in 1 : vector<1000x128xf32>, vector<1000x16xf32> -> vector<1000x144xf32>
    %swap3A = arith.constant 0 : index
    %swap3A_39 = arith.constant 0 : index
    %swap3A_40 = vector.load %arg6[%swap3A, %swap3A_39] : memref<1000x144xf32, #tpu.memory_space<vmem>>, vector<1000x144xf32>
    tpu.vector_store %arg6[%swap3A, %swap3A_39], %concatenate3A {strides = array<i32>} : memref<1000x144xf32, #tpu.memory_space<vmem>>, vector<1000x144xf32>,
    return
  }
  func.func @transform_0(%arg0: i32) -> (i32, i32, i32) {
    %c0_i32 = arith.constant 0 : i32
    %c0_i32_0 = arith.constant 0 : i32
    %c0_i32_1 = arith.constant 0 : i32
    return %c0_i32, %arg0, %c0_i32_0 : i32, i32, i32
  }
  func.func @transform_1(%arg0: i32) -> (i32, i32) {
    %c0_i32 = arith.constant 0 : i32
    %c0_i32_0 = arith.constant 0 : i32
    return %arg0, %c0_i32 : i32, i32
  }
  func.func @transform_2(%arg0: i32) -> (i32, i32) {
    %c0_i32 = arith.constant 0 : i32
    %c0_i32_0 = arith.constant 0 : i32
    %c0_i32_1 = arith.constant 0 : i32
    return %c0_i32, %c0_i32_0 : i32, i32
  }
  func.func @transform_3(%arg0: i32) -> (i32, i32) {
    %c0_i32 = arith.constant 0 : i32
    %c0_i32_0 = arith.constant 0 : i32
    %c0_i32_1 = arith.constant 0 : i32
    return %c0_i32, %c0_i32_0 : i32, i32
  }
  func.func @transform_4(%arg0: i32) -> (i32, i32) {
    %c0_i32 = arith.constant 0 : i32
    %c0_i32_0 = arith.constant 0 : i32
    %c0_i32_1 = arith.constant 0 : i32
    return %c0_i32, %c0_i32_0 : i32, i32
  }
  func.func @transform_5(%arg0: i32) -> (i32, i32) {
    %c0_i32 = arith.constant 0 : i32
    %c0_i32_0 = arith.constant 0 : i32
    return %arg0, %c0_i32 : i32, i32
  }
}

module attributes {stable_mosaic.version = 14 : i64} {
  func.func @_layer2_body(%arg0: i32, %arg1: memref<2x1000x144xf32, #tpu.memory_space<vmem>>, %arg2: memref<1000x144xf32, #tpu.memory_space<vmem>>, %arg3: memref<128x64xf32, #tpu.memory_space<vmem>>, %arg4: memref<128x64xf32, #tpu.memory_space<vmem>>, %arg5: memref<1x64xf32, #tpu.memory_space<vmem>>, %arg6: memref<1000x64xf32, #tpu.memory_space<vmem>>) attributes {dimension_semantics = [#tpu.dimension_semantics<arbitrary>], iteration_bounds = array<i64: 10>, scalar_prefetch = 0 : i64, scratch_operands = 0 : i64, tpu.core_type = #tpu.core_type<tc>, window_params = [{transform_indices = @transform_0, window_bounds = array<i64: 2, 1000, 144>}, {transform_indices = @transform_1, window_bounds = array<i64: 1000, 144>}, {pipeline_mode = #tpu.pipeline_mode<synchronous>, transform_indices = @transform_2, window_bounds = array<i64: 128, 64>}, {pipeline_mode = #tpu.pipeline_mode<synchronous>, transform_indices = @transform_3, window_bounds = array<i64: 128, 64>}, {pipeline_mode = #tpu.pipeline_mode<synchronous>, transform_indices = @transform_4, window_bounds = array<i64: 1, 64>}, {transform_indices = @transform_5, window_bounds = array<i64: 1000, 64>}]} {
    %get3A = arith.constant 0 : index
    %get3A_0 = arith.constant 0 : index
    %get3A_1 = arith.constant 0 : index
    %get3A_2 = vector.load %arg1[%get3A, %get3A_0, %get3A_1] : memref<2x1000x144xf32, #tpu.memory_space<vmem>>, vector<1x1000x144xf32>
    %get3A_3 = vector.shape_cast %get3A_2 : vector<1x1000x144xf32> to vector<1000x144xf32>
    %get3A_4 = arith.constant 1 : index
    %get3A_5 = arith.constant 0 : index
    %get3A_6 = arith.constant 0 : index
    %get3A_7 = vector.load %arg1[%get3A_4, %get3A_5, %get3A_6] : memref<2x1000x144xf32, #tpu.memory_space<vmem>>, vector<1x1000x144xf32>
    %get3A_8 = vector.shape_cast %get3A_7 : vector<1x1000x144xf32> to vector<1000x144xf32>
    %add3A = arith.addf %get3A_3, %get3A_8 : vector<1000x144xf32>
    %slice3A = vector.extract_strided_slice %add3A {offsets = [0, 128], sizes = [1000, 1], strides = [1, 1]} : vector<1000x144xf32> to vector<1000x1xf32>
    %squeeze3A = vector.shape_cast %slice3A : vector<1000x1xf32> to vector<1000xf32>
    %max3A = arith.constant 1.000000e+00 : f32
    %max3A_9 = vector.broadcast %max3A : f32 to vector<1000xf32>
    %max3A_10 = arith.maximumf %squeeze3A, %max3A_9 : vector<1000xf32>
    %slice3A_11 = vector.extract_strided_slice %add3A {offsets = [0, 0], sizes = [1000, 128], strides = [1, 1]} : vector<1000x144xf32> to vector<1000x128xf32>
    %broadcast_in_dim3A = vector.shape_cast %max3A_10 : vector<1000xf32> to vector<1000x1xf32>
    %div3A = vector.broadcast %broadcast_in_dim3A : vector<1000x1xf32> to vector<1000x128xf32>
    %div3A_12 = arith.divf %slice3A_11, %div3A : vector<1000x128xf32>
    %get3A_13 = arith.constant 0 : index
    %get3A_14 = arith.constant 0 : index
    %get3A_15 = vector.load %arg2[%get3A_13, %get3A_14] : memref<1000x144xf32, #tpu.memory_space<vmem>>, vector<1000x128xf32>
    %get3A_16 = arith.constant 0 : index
    %get3A_17 = arith.constant 0 : index
    %get3A_18 = vector.load %arg3[%get3A_16, %get3A_17] : memref<128x64xf32, #tpu.memory_space<vmem>>, vector<128x64xf32>
    %dot_general3A = arith.constant dense<0.000000e+00> : vector<1000x64xf32>
    %dot_general3A_19 = tpu.matmul %get3A_15, %get3A_18, %dot_general3A {dimension_numbers = #tpu.dot_dimension_numbers<[1], [0], [0], [1], [0, 0, 1, 1], [], []>, transpose_lhs_hint = false} : vector<1000x128xf32>, vector<128x64xf32>, vector<1000x64xf32> -> vector<1000x64xf32>
    %get3A_20 = arith.constant 0 : index
    %get3A_21 = arith.constant 0 : index
    %get3A_22 = vector.load %arg4[%get3A_20, %get3A_21] : memref<128x64xf32, #tpu.memory_space<vmem>>, vector<128x64xf32>
    %dot_general3A_23 = arith.constant dense<0.000000e+00> : vector<1000x64xf32>
    %dot_general3A_24 = tpu.matmul %div3A_12, %get3A_22, %dot_general3A_23 {dimension_numbers = #tpu.dot_dimension_numbers<[1], [0], [0], [1], [0, 0, 1, 1], [], []>, transpose_lhs_hint = false} : vector<1000x128xf32>, vector<128x64xf32>, vector<1000x64xf32> -> vector<1000x64xf32>
    %add3A_25 = arith.addf %dot_general3A_19, %dot_general3A_24 : vector<1000x64xf32>
    %get3A_26 = arith.constant 0 : index
    %get3A_27 = arith.constant 0 : index
    %get3A_28 = vector.load %arg5[%get3A_26, %get3A_27] : memref<1x64xf32, #tpu.memory_space<vmem>>, vector<1x64xf32>
    %add3A_29 = vector.broadcast %get3A_28 : vector<1x64xf32> to vector<1000x64xf32>
    %add3A_30 = arith.addf %add3A_25, %add3A_29 : vector<1000x64xf32>
    %swap3A = arith.constant 0 : index
    %swap3A_31 = arith.constant 0 : index
    %swap3A_32 = vector.load %arg6[%swap3A, %swap3A_31] : memref<1000x64xf32, #tpu.memory_space<vmem>>, vector<1000x64xf32>
    tpu.vector_store %arg6[%swap3A, %swap3A_31], %add3A_30 {strides = array<i32>} : memref<1000x64xf32, #tpu.memory_space<vmem>>, vector<1000x64xf32>,
    return
  }
  func.func @transform_0(%arg0: i32) -> (i32, i32, i32) {
    %c0_i32 = arith.constant 0 : i32
    %c0_i32_0 = arith.constant 0 : i32
    %c0_i32_1 = arith.constant 0 : i32
    return %c0_i32, %arg0, %c0_i32_0 : i32, i32, i32
  }
  func.func @transform_1(%arg0: i32) -> (i32, i32) {
    %c0_i32 = arith.constant 0 : i32
    %c0_i32_0 = arith.constant 0 : i32
    return %arg0, %c0_i32 : i32, i32
  }
  func.func @transform_2(%arg0: i32) -> (i32, i32) {
    %c0_i32 = arith.constant 0 : i32
    %c0_i32_0 = arith.constant 0 : i32
    %c0_i32_1 = arith.constant 0 : i32
    return %c0_i32, %c0_i32_0 : i32, i32
  }
  func.func @transform_3(%arg0: i32) -> (i32, i32) {
    %c0_i32 = arith.constant 0 : i32
    %c0_i32_0 = arith.constant 0 : i32
    %c0_i32_1 = arith.constant 0 : i32
    return %c0_i32, %c0_i32_0 : i32, i32
  }
  func.func @transform_4(%arg0: i32) -> (i32, i32) {
    %c0_i32 = arith.constant 0 : i32
    %c0_i32_0 = arith.constant 0 : i32
    %c0_i32_1 = arith.constant 0 : i32
    return %c0_i32, %c0_i32_0 : i32, i32
  }
  func.func @transform_5(%arg0: i32) -> (i32, i32) {
    %c0_i32 = arith.constant 0 : i32
    %c0_i32_0 = arith.constant 0 : i32
    return %arg0, %c0_i32 : i32, i32
  }
}

</mosaic_0001>

<sc_bundles>
// kernel: kernel.6.cloned.1.call-start
scs
__scs_entry_jumppad:
0x0: {  	(pc) =	sbr.rel $0x88, $3  }
0x1: {  	(tag) =	ssettag $0x0;
	lr =	simm.s32 $0x1  }
0x2: {  	[smem:$0x3F99] =	sst lr;
	_ =	strace $0xD0000000  }
0x3: {  	_ = 	snop  }
0x4: {  	_ = 	snop  }
0x5: {  	_ = 	snop  }
0x6: {  	_ = 	snop  }
0x7: {  	_ = 	snop  }
__scs_overlays_trampoline_lowered:
0x8: {  	[smem:$0x3FA8] =	sst s0  }
0x9: {  	[smem:$0x3FA9] =	sst s1  }
0xa: {  	[smem:$0x3FAA] =	sst s2  }
0xb: {  	[smem:$0x3FAB] =	sst s3  }
0xc: {  	[smem:$0x3FAC] =	sst s4  }
0xd: {  	[smem:$0x3FAD] =	sst s5  }
0xe: {  	[smem:$0x3FAE] =	sst s6  }
0xf: {  	[smem:$0x3FAF] =	sst s7  }
0x10: {  	[smem:$0x3FB0] =	sst s8  }
0x11: {  	[smem:$0x3FB1] =	sst s9;
	s0 =	simm.s32 @!p0 $0x0  }
0x12: {  	s1 =	sld [smem:$0x3F97];
	s0 =	simm.s32 @p0 $0x1  }
0x13: {  	[smem:$0x3FB2] =	sst s0;
	s0 =	simm.s32 @!p1 $0x0  }
0x14: {  	s2 =	sld [smem:$0x3F96];
	s0 =	simm.s32 @p1 $0x1  }
0x15: {  	[smem:$0x3FB3] =	sst s0;
	s0 =	simm.s32 @!p2 $0x0  }
0x16: {  	s3 =	sld [smem:$0x3FDB];
	s0 =	simm.s32 @p2 $0x1  }
0x17: {  	s4 =	simm.s32 $0x1BF5;
	[smem:$0x3FB5] =	sst s0  }
0x18: {  	s0 =	sld [smem:$0x3F98];
	_ =	swait.ge [sflag:s4], $0x0  }
0x19: {  	s7 =	sld [smem:$0x3F99]  }
0x1a: {  	s8 =	sadd.s32 $0xFFFFE003, lr  }
0x1b: {  	s9 =	sadd.s32 $0xFFFFFEF7, lr;
	s5 =	simm.s32 $0xFFFFFFFF;
	p2 =	slt.u32 s8, $0xFFFFF086  }
0x1c: {  	p1 =	slt.u32 s9, $0xF7A;
	s5 =	simm.s32 @!p2 $0x0  }
0x1d: {  	s5 =	simm.s32 @p1 $0x1;
	p0 =	seq.s32 s7, s2  }
0x1e: {  	s7 =	smul.u32 @!p0 $0xF7A, s2;
	p2 =	seq.s32 @!p0 s5, $0x0  }
0x1f: {  	s9 =	smul.u32 $0xF7A, s1;
	s8 =	simm.s32 @!p0 $0x1BF5;
	p2 =	por !p2, p0  }
0x20: {  	[sflag:s8] =	ssyncset.s32 @!p0 $0xFFFFF086;
	s6 =	sadd.s32 @!p0 s3, s7;
	s7 =	simm.s32 @!p0 $0x108  }
0x21: {  	s3 =	sadd.s32 s3, s9;
	s6 =	sadd.s32 @!p0 $0x88, s6;
	s7 =	simm.s32 @p2 $0x1082  }
0x22: {  	[simem:s7], [sflag:s8] =	dma.local @!p0 [hbm:s6], $0xF7A  }
0x23: {  	s9 =	sor.u32 $0xD0000000, s2;
	s6 =	simm.s32 $0x108;
	_ =	swait.ge @!p0 [sflag:s8], $0x0  }
0x24: {  	s3 =	sadd.s32 $0x88, s3;
	s6 =	simm.s32 @!p1 $0x1082;
	[sflag:s4] =	ssyncset.s32 $0xFFFFF086  }
0x25: {  	[simem:s6], [sflag:s4] =	dma.local [hbm:s3], $0xF7A  }
0x26: {  	[smem:$0x3F99] =	sst s1;
	(tag) =	ssettag s2;
	_ =	strace s9  }
0x27: {  	s1 =	sld [smem:$0x3FA9]  }
0x28: {  	s2 =	sld [smem:$0x3FAA]  }
0x29: {  	s4 =	sld [smem:$0x3FAC]  }
0x2a: {  	p0 =	seq.s32 s5, $0x0;
	s5 =	sld [smem:$0x3FAD]  }
0x2b: {  	s6 =	sld [smem:$0x3FAE]  }
0x2c: {  	s7 =	sld [smem:$0x3FAF]  }
0x2d: {  	s3 =	simm.s32 $0x108;
	s8 =	sld [smem:$0x3FB0]  }
0x2e: {  	s3 =	simm.s32 @!p0 $0x1082;
	s9 =	sld [smem:$0x3FB1]  }
0x2f: {  	lr =	sadd.s32 s0, s3;
	s0 =	sld [smem:$0x3FA8]  }
0x30: {  	s3 =	sld [smem:$0x3FAB]  }
0x31: {  	[smem:$0x3FB4] =	sst s10  }
0x32: {  	s10 =	sld [smem:$0x3FB2];
	_ =	sdelay $0x3  }
0x33: {  	p0 =	seq.s32 s10, $0x1;
	s10 =	sld [smem:$0x3FB4];
	_ =	sdelay $0x3  }
0x34: {  	[smem:$0x3FB4] =	sst s10  }
0x35: {  	s10 =	sld [smem:$0x3FB3];
	_ =	sdelay $0x3  }
0x36: {  	p1 =	seq.s32 s10, $0x1;
	s10 =	sld [smem:$0x3FB4];
	_ =	sdelay $0x3  }
0x37: {  	[smem:$0x3FB4] =	sst s10  }
0x38: {  	s10 =	sld [smem:$0x3FB5]  }
0x39: {  	_ = 	snop;
	(pc) =	sbr.ind lr, $3  }
0x3a: {  	_ = 	snop  }
0x3b: {  	_ = 	snop  }
0x3c: {  	p2 =	seq.s32 s10, $0x1;
	s10 =	sld [smem:$0x3FB4]  }
0x3d: {  	_ =	shalt  }
0x3e: {  	_ =	shalt  }
0x3f: {  	_ =	shalt  }
0x40: {  	_ =	shalt  }
0x41: {  	_ =	shalt  }
0x42: {  	_ =	shalt  }
0x43: {  	_ =	shalt  }
0x44: {  	_ =	shalt  }
0x45: {  	_ =	shalt  }
0x46: {  	_ =	shalt  }
0x47: {  	_ =	shalt  }
0x48: {  	_ =	shalt  }
0x49: {  	_ =	shalt  }
0x4a: {  	_ =	shalt  }
0x4b: {  	_ =	shalt  }
0x4c: {  	_ =	shalt  }
0x4d: {  	_ =	shalt  }
0x4e: {  	_ =	shalt  }
0x4f: {  	_ =	shalt  }
0x50: {  	_ =	shalt  }
0x51: {  	_ =	shalt  }
0x52: {  	_ =	shalt  }
0x53: {  	_ =	shalt  }
0x54: {  	_ =	shalt  }
0x55: {  	_ =	shalt  }
0x56: {  	_ =	shalt  }
0x57: {  	_ =	shalt  }
0x58: {  	_ =	shalt  }
0x59: {  	_ =	shalt  }
0x5a: {  	_ =	shalt  }
0x5b: {  	_ =	shalt  }
0x5c: {  	_ =	shalt  }
0x5d: {  	_ =	shalt  }
0x5e: {  	_ =	shalt  }
0x5f: {  	_ =	shalt  }
0x60: {  	_ =	shalt  }
0x61: {  	_ =	shalt  }
0x62: {  	_ =	shalt  }
0x63: {  	_ =	shalt  }
0x64: {  	_ =	shalt  }
0x65: {  	_ =	shalt  }
0x66: {  	_ =	shalt  }
0x67: {  	_ =	shalt  }
0x68: {  	_ =	shalt  }
0x69: {  	_ =	shalt  }
0x6a: {  	_ =	shalt  }
0x6b: {  	_ =	shalt  }
0x6c: {  	_ =	shalt  }
0x6d: {  	_ =	shalt  }
0x6e: {  	_ =	shalt  }
0x6f: {  	_ =	shalt  }
0x70: {  	_ =	shalt  }
0x71: {  	_ =	shalt  }
0x72: {  	_ =	shalt  }
0x73: {  	_ =	shalt  }
0x74: {  	_ =	shalt  }
0x75: {  	_ =	shalt  }
0x76: {  	_ =	shalt  }
0x77: {  	_ =	shalt  }
0x78: {  	_ =	shalt  }
0x79: {  	_ =	shalt  }
0x7a: {  	_ =	shalt  }
0x7b: {  	_ =	shalt  }
0x7c: {  	_ =	shalt  }
0x7d: {  	_ =	shalt  }
0x7e: {  	_ =	shalt  }
0x7f: {  	_ =	shalt  }
0x80: {  	_ =	shalt  }
0x81: {  	_ =	shalt  }
0x82: {  	_ =	shalt  }
0x83: {  	_ =	shalt  }
0x84: {  	_ =	shalt  }
0x85: {  	_ =	shalt  }
0x86: {  	_ =	shalt  }
0x87: {  	_ =	shalt  }
.Lfunc_end0:
.L_simem_size_0:
called_computation_lowered:
.L_overlay_start_0:
0x88: {  	s2 =	sld [smem:$0x3FD9]  }
0x89: {  	s3 =	sld [smem:$0x3FFE];
	_ =	sdelay $0x1  }
0x8a: {  	s1 =	srdreg.scid  }
0x8b: {  	s0 =	sand.u32 $0x1, s1  }
0x8c: {  	s17 =	sshll.u32 s0, $0xA;
	s2 =	sadd.s32 s3, s2  }
0x8d: {  	s2 =	sadd.s32 s2, s17  }
0x8e: {  	[smem:$0x3FC0] =	sst s2  }
0x8f: {  	_ = 	snop  }
0x90: {  	s2 =	sld [smem:$0x3FD0];
	(tm) =	ssettm $0x1  }
0x91: {  	s18 =	sld [smem:$0x3FFB];
	_ =	sdelay $0x3  }
0x92: {  	_ =	strace s18  }
0x93: {  	s3 =	sld [smem:$0x3FFC];
	_ =	sdelay $0x3  }
0x94: {  	_ =	strace s3  }
0x95: {  	s3 =	sld [smem:$0x3FFD];
	_ =	sdelay $0x3  }
0x96: {  	_ =	strace s3  }
0x97: {  	_ =	strace $0x8FFFFFFF  }
0x98: {  	s19 =	sld [smem:$0x3FDB];
	_ =	sdelay $0x1  }
0x99: {  	s4 =	simm.s32 $_scs_section_size  }
0x9a: {  	s5 =	simm.s32 $_size__tile_overlayer_lowered;
	s6 =	simm.s32 $_tile_overlayer_lowered  }
0x9b: {  	s22 =	simm.s32 $0x1BFF;
	s21 =	sshll.u32 s6, $0x1;
	s3 =	sadd.s32 s4, s19  }
0x9c: {  	s7 =	simm.s32 $0x0;
	s20 =	sshll.u32 s5, $0x1;
	s5 =	sadd.s32 s21, s3  }
0x9d: {  	[timem:s7], [sflag:s22] =	dma.local [hbm:s5], s20  }
0x9e: {  	_ =	swait.ge [sflag:s22], s20  }
0x9f: {  	s4 =	ssub.s32 $0x0, s20;
	[sflag:s22] =	ssyncset.done $0x0  }
0xa0: {  	[sflag:s22] =	ssyncadd.s32 s4;
	_ =	sdelay $0x1  }
0xa1: {  	s23 =	simm.s32 $0x1B8B  }
0xa2: {  	_ =	swait.ge [sflag:s23], $0x1  }
0xa3: {  	[sflag:s23] =	ssyncset.done $0x0  }
0xa4: {  	s25 =	simm.s32 $0x1B8E;
	s24 =	sld [smem:$0x3FFE];
	[sflag:s23] =	ssyncadd.s32 $0xFFFFFFFF  }
0xa5: {  	s26 =	simm.s32 $execute0_lowered;
	[smem:$0x3FD2] =	sst s25  }
0xa6: {  	s5 =	sshll.u32 s26, $0x1;
	_ =	strace $0x80000046;
	[dreg:$0x1] =	wrdreg $0xFFFFFFFF  }
0xa7: {  	s28 =	simm.s32 $_size_execute0_lowered;
	s3 =	sadd.s32 s3, s5;
	[dreg:$0x0] =	wrdreg $0x0  }
0xa8: {  	s5 =	sshll.u32 s28, $0x1;
	[dreg:$0x2] =	wrdreg s3  }
0xa9: {  	[dreg:$0x3] =	wrdreg s5  }
0xaa: {  	[dreg:$0x4] =	wrdreg $0xC0  }
0xab: {  	_ =	task [dreg:s7], $0x5FFFF  }
0xac: {  	[dreg:$0x1] =	wrdreg $0xFFFFFFFF  }
0xad: {  	[dreg:$0x0] =	wrdreg $0x60  }
0xae: {  	[dreg:$0x2] =	wrdreg s24  }
0xaf: {  	[dreg:$0x3] =	wrdreg s2  }
0xb0: {  	[dreg:$0x4] =	wrdreg $0x81B00  }
0xb1: {  	[dreg:$0x5] =	wrdreg $0x9  }
0xb2: {  	_ =	task.clear_ibuf [dreg:s7], $0x6FFFF;
	_ =	strace $0x90000046  }
0xb3: {  	s29 =	simm.s32 $0x9;
	_ =	strace $0x80000048  }
0xb4: {  	_ =	swait.ge [sflag:s29], $0x1  }
0xb5: {  	[sflag:s29] =	ssyncadd.s32 $0xFFFFFFFF  }
0xb6: {  	_ =	strace $0x90000048  }
0xb7: {  	_ =	sfence  }
0xb8: {  	s30 =	sld [smem:$0x0];
	_ =	sdelay $0x2  }
0xb9: {  	s31 =	sshll.u32 s1, $0xD;
	s1 =	sshrl.u32 s1, $0x2  }
0xba: {  	s3 =	sand.u32 $0x4000, s31;
	s1 =	sadd.s32 s1, s30  }
0xbb: {  	s0 =	sor.u32 s3, s0;
	s1 =	sshll.u32 s1, $0x11  }
0xbc: {  	s0 =	sor.u32 s1, s0  }
0xbd: {  	s0 =	sadd.s32 $0x8F2B, s0  }
0xbe: {  	[sflag:s0] =	ssyncadd.remote.s32 $0x1  }
0xbf: {  	_ =	sfence.sel $0xFFFF  }
0xc0: {  	[dreg:$0x0] =	wrdreg $0xFFFFFFFF;
	(pc) =	sbr.abs _section_cstart, $3  }
0xc1: {  	[dreg:$0x1] =	wrdreg $0xFFFFFFFF  }
0xc2: {  	_ =	task.clear_ibuf [dreg:s7], $0x2FFFF;
	_ =	strace $0x9FFFFFFF  }
0xc3: {  	(tm) =	ssettm $0x7FFFFFFF  }
tec
execute0_lowered:
.L_overlay_start_1:
0x0: {  	(tag) =	ssettag $0x1  }
0x1: {  	s7 =	rddreg [dreg:$0x0]  }
0x2: {  	s1 =	srdreg.scid;
	s2 =	rddreg [dreg:$0x1]  }
0x3: {  	s0 =	stileid.u32;
	s3 =	rddreg [dreg:$0x2]  }
0x4: {  	s4 =	simm.s32 $0x0;
	s16 =	simm.s32 $0x50;
	s17 =	simm.s32 $0x27B0  }
0x5: {  	s18 =	simm.s32 $0x2710;
	s19 =	simm.s32 $0x54B0;
	s20 =	simm.s32 $0x2760  }
0x6: {  	s21 =	simm.s32 $0x1;
	s22 =	simm.s32 $0x3;
	s23 =	simm.s32 $0x2  }
0x7: {  	s24 =	simm.s32 $0x4;
	s25 =	simm.s32 $0x0;
	s8 =	smul.u32 $0x15F90, s0  }
0x8: {  	s6 =	sand.u32 $0x1, s1;
	s26 =	sshll.u32 s0, $0x1;
	s13 =	smul.u32 $0x4E20, s0  }
0x9: {  	[smem:$0x7FF] =	sst s4;
	s29 =	sshll.u32 s0, $0x6;
	s10 =	smul.u32 $0x15F900, s6  }
0xa: {  	s1 =	sor.u32 s6, s26;
	_ =	strace $0x80000047;
	s15 =	smul.u32 $0x2710, s6  }
0xb: {  	s12 =	ssub.s32 $0x2, s6;
	s6 =	sadd.s32 $0x36C00, s7;
	s5 =	smul.u32 $0x2710, s1  }
0xc: {  	s14 =	sshrl.u32 s12, $0x1;
	s28 =	sadd.s32 s8, s3;
	s10 =	sadd.s32 s8, s10  }
0xd: {  	s12 =	ssub.s32 s12, s14;
	s13 =	sadd.s32 s15, s13;
	s14 =	sshrl.u32 s28, $0x3  }
0xe: {  	s15 =	simm.s32 $0x5;
	s9 =	sshrl.u32 s5, $0x3;
	s5 =	sadd.s32 $0xAC00, s7  }
0xf: {  	s10 =	sshrl.u32 s10, $0x3;
	s30 =	sadd.s32 $0x50, s13;
	s11 =	sadd.s32 s9, s7  }
0x10: {  	s10 =	sadd.s32 s10, s7;
	s7 =	sor.u32 $0x1C05, s29;
	s9 =	sadd.s32 s2, s9  }
0x11: {  	s31 =	sshrl.u32 s30, $0x3;
	s8 =	sadd.s32 $0xE00, s11;
	s10 =	sadd.s32 $0x39800, s10  }
0x12: {  	s11 =	smax.u32 s12, $0x1;
	s12 =	sadd.s32 $0xA0, s13;
	s13 =	sadd.s32 s31, s2  }
.LBB2_1:
0x13: {  	[spmem:s14], [sflag:s7] =	dma.local [hbm:s6], $0x2BF2  }
0x14: {  	_ =	swait.ge [sflag:s15], $0x2BF2  }
0x15: {  	[sflag:s15] =	ssyncset.done $0x0  }
0x16: {  	[sflag:s15] =	ssyncadd.s32 $0xFFFFD40E  }
0x17: {  	[tilespmem:s4], [sflag:$0x5] =	stream.linear.gather [hbm4b:s8+s4], $0x2710, $0x38;
	[tilespmem:$0x1E140] =	vst v63  }
0x18: {  	_ =	swait.ge [sflag:s15], $0x2710  }
0x19: {  	[sflag:s15] =	ssyncset.done $0x0  }
0x1a: {  	[sflag:s15] =	ssyncadd.s32 $0xFFFFD8F0  }
0x1b: {  	[bflag:$0x0] =	sbarrier.arrive $0xFFFF  }
0x1c: {  	[tilespmem:s17], [sflag:$0x1] =	stream.indirect.gather [hbm4b:s5+s16], $0x90, s4, s16, $0xb8;
	[tilespmem:$0x1E140] =	vst v63  }
0x1d: {  	_ = 	snop  }
0x1e: {  	[tilespmem:s18], [sflag:$0x3] =	stream.linear.gather [hbm4b:s9+s4], $0x50, $0x38;
	[tilespmem:$0x1E140] =	vst v63  }
0x1f: {  	s26 =	simm.s32 $0x50  }
0x20: {  	[tilespmem:s19], [sflag:$0x2] =	stream.indirect.gather [hbm4b:s5+s16], $0x90, s26, s16, $0xb8;
	[tilespmem:$0x1E140] =	vst v63  }
0x21: {  	s31 =	sadd.s32 $0x0, s13  }
0x22: {  	[tilespmem:s20], [sflag:$0x4] =	stream.linear.gather [hbm4b:s31+s4], $0x50, $0x38;
	[tilespmem:$0x1E140] =	vst v63  }
0x23: {  	_ =	swait.ge [sflag:s21], $0x2D00  }
0x24: {  	[sflag:s21] =	ssyncset.done $0x0  }
0x25: {  	[sflag:s21] =	ssyncadd.s32 $0xFFFFD300  }
0x26: {  	_ =	swait.ge [sflag:s22], $0x50  }
0x27: {  	[sflag:s22] =	ssyncset.done $0x0  }
0x28: {  	[sflag:s22] =	ssyncadd.s32 $0xFFFFFFB0  }
0x29: {  	[spmem:s3] =	stream.indirect.scatter.add.f32 [tilespmem:s17], [sflag:$0x5], $0x90, s18, s16, $0xb8;
	[tilespmem:$0x1E140] =	vst v63  }
0x2a: {  	_ =	swait.ge [sflag:s15], $0x2D00  }
0x2b: {  	[sflag:s15] =	ssyncset.done $0x0  }
0x2c: {  	s1 =	simm.s32 $0xA0;
	s28 =	sshrl.u32 s12, $0x3;
	[sflag:s15] =	ssyncadd.s32 $0xFFFFD300  }
0x2d: {  	[tilespmem:s17], [sflag:$0x1] =	stream.indirect.gather [hbm4b:s5+s16], $0x90, s1, s16, $0xb8;
	[tilespmem:$0x1E140] =	vst v63  }
0x2e: {  	s31 =	sadd.s32 s2, s28  }
0x2f: {  	[tilespmem:s18], [sflag:$0x3] =	stream.linear.gather [hbm4b:s31+s4], $0x50, $0x38;
	[tilespmem:$0x1E140] =	vst v63  }
0x30: {  	_ =	swait.ge [sflag:s23], $0x2D00  }
0x31: {  	[sflag:s23] =	ssyncset.done $0x0  }
0x32: {  	[sflag:s23] =	ssyncadd.s32 $0xFFFFD300  }
0x33: {  	_ =	swait.ge [sflag:s24], $0x50  }
0x34: {  	[sflag:s24] =	ssyncset.done $0x0  }
0x35: {  	[sflag:s24] =	ssyncadd.s32 $0xFFFFFFB0  }
0x36: {  	[spmem:s3] =	stream.indirect.scatter.add.f32 [tilespmem:s19], [sflag:$0x5], $0x90, s20, s16, $0xb8;
	[tilespmem:$0x1E140] =	vst v63  }
0x37: {  	s29 =	simm.s32 $0x14;
	s30 =	simm.s32 $0x28;
	_ =	swait.ge [sflag:s15], $0x2D00  }
0x38: {  	s26 =	simm.s32 $0x140;
	s28 =	smov.u32 s12;
	[sflag:s15] =	ssyncset.done $0x0  }
.LBB2_2:
0x39: {  	s31 =	sadd.s32 $0xFFFFFFB0, s26  }
0x3a: {  	[sflag:s15] =	ssyncadd.s32 $0xFFFFD300;
	s28 =	sadd.s32 $0xA0, s28;
	s1 =	smov.u32 s30  }
0x3b: {  	[tilespmem:s19], [sflag:$0x2] =	stream.indirect.gather [hbm4b:s5+s16], $0x90, s31, s16, $0xb8;
	[tilespmem:$0x1E140] =	vst v63  }
0x3c: {  	p0 =	sne.s32 s30, $0x4C4;
	s30 =	sadd.s32 $0x14, s30;
	s29 =	sadd.s32 s29, s13  }
0x3d: {  	[tilespmem:s20], [sflag:$0x4] =	stream.linear.gather [hbm4b:s29+s4], $0x50, $0x38;
	[tilespmem:$0x1E140] =	vst v63  }
0x3e: {  	s29 =	smov.u32 s1;
	_ =	swait.ge [sflag:s21], $0x2D00  }
0x3f: {  	[sflag:s21] =	ssyncset.done $0x0  }
0x40: {  	[sflag:s21] =	ssyncadd.s32 $0xFFFFD300  }
0x41: {  	_ =	swait.ge [sflag:s22], $0x50  }
0x42: {  	[sflag:s22] =	ssyncset.done $0x0  }
0x43: {  	[sflag:s22] =	ssyncadd.s32 $0xFFFFFFB0  }
0x44: {  	[spmem:s3] =	stream.indirect.scatter.add.f32 [tilespmem:s17], [sflag:$0x5], $0x90, s18, s16, $0xb8;
	[tilespmem:$0x1E140] =	vst v63  }
0x45: {  	_ =	swait.ge [sflag:s15], $0x2D00  }
0x46: {  	[sflag:s15] =	ssyncset.done $0x0  }
0x47: {  	s1 =	sshrl.u32 s28, $0x3;
	[sflag:s15] =	ssyncadd.s32 $0xFFFFD300  }
0x48: {  	[tilespmem:s17], [sflag:$0x1] =	stream.indirect.gather [hbm4b:s5+s16], $0x90, s26, s16, $0xb8;
	[tilespmem:$0x1E140] =	vst v63  }
0x49: {  	s1 =	sadd.s32 s2, s1  }
0x4a: {  	[tilespmem:s18], [sflag:$0x3] =	stream.linear.gather [hbm4b:s1+s4], $0x50, $0x38;
	[tilespmem:$0x1E140] =	vst v63  }
0x4b: {  	_ =	swait.ge [sflag:s23], $0x2D00  }
0x4c: {  	[sflag:s23] =	ssyncset.done $0x0  }
0x4d: {  	[sflag:s23] =	ssyncadd.s32 $0xFFFFD300  }
0x4e: {  	_ =	swait.ge [sflag:s24], $0x50  }
.Ltmp0:
0x4f: {  	[sflag:s24] =	ssyncset.done $0x0;
	(pc) =	sbr.rel @p0 .LBB2_2-.Ltmp0, $4  }
0x50: {  	[sflag:s24] =	ssyncadd.s32 $0xFFFFFFB0  }
0x51: {  	[spmem:s3] =	stream.indirect.scatter.add.f32 [tilespmem:s19], [sflag:$0x5], $0x90, s20, s16, $0xb8;
	[tilespmem:$0x1E140] =	vst v63  }
0x52: {  	_ =	swait.ge [sflag:s15], $0x2D00  }
0x53: {  	s26 =	sadd.s32 $0xA0, s26;
	[sflag:s15] =	ssyncset.done $0x0  }
0x54: {  	s1 =	sadd.s32 $0xFFFFFFB0, s26;
	[sflag:s15] =	ssyncadd.s32 $0xFFFFD300  }
0x55: {  	[tilespmem:s19], [sflag:$0x2] =	stream.indirect.gather [hbm4b:s5+s16], $0x90, s1, s16, $0xb8;
	[tilespmem:$0x1E140] =	vst v63  }
0x56: {  	s30 =	sadd.s32 s29, s13  }
0x57: {  	[tilespmem:s20], [sflag:$0x4] =	stream.linear.gather [hbm4b:s30+s4], $0x50, $0x38;
	[tilespmem:$0x1E140] =	vst v63  }
0x58: {  	_ =	swait.ge [sflag:s21], $0x2D00  }
0x59: {  	[sflag:s21] =	ssyncset.done $0x0  }
0x5a: {  	[sflag:s21] =	ssyncadd.s32 $0xFFFFD300  }
0x5b: {  	_ =	swait.ge [sflag:s22], $0x50  }
0x5c: {  	[sflag:s22] =	ssyncset.done $0x0  }
0x5d: {  	[sflag:s22] =	ssyncadd.s32 $0xFFFFFFB0  }
0x5e: {  	[spmem:s3] =	stream.indirect.scatter.add.f32 [tilespmem:s17], [sflag:$0x5], $0x90, s18, s16, $0xb8;
	[tilespmem:$0x1E140] =	vst v63  }
0x5f: {  	_ =	swait.ge [sflag:s15], $0x2D00  }
0x60: {  	s31 =	sadd.s32 $0xA0, s28;
	[sflag:s15] =	ssyncset.done $0x0  }
0x61: {  	s1 =	sshrl.u32 s31, $0x3;
	[sflag:s15] =	ssyncadd.s32 $0xFFFFD300  }
0x62: {  	[tilespmem:s17], [sflag:$0x1] =	stream.indirect.gather [hbm4b:s5+s16], $0x90, s26, s16, $0xb8;
	[tilespmem:$0x1E140] =	vst v63  }
0x63: {  	s1 =	sadd.s32 s2, s1  }
0x64: {  	[tilespmem:s18], [sflag:$0x3] =	stream.linear.gather [hbm4b:s1+s4], $0x50, $0x38;
	[tilespmem:$0x1E140] =	vst v63  }
0x65: {  	_ =	swait.ge [sflag:s23], $0x2D00  }
0x66: {  	[sflag:s23] =	ssyncset.done $0x0  }
0x67: {  	[sflag:s23] =	ssyncadd.s32 $0xFFFFD300  }
0x68: {  	_ =	swait.ge [sflag:s24], $0x50  }
0x69: {  	[sflag:s24] =	ssyncset.done $0x0  }
0x6a: {  	[sflag:s24] =	ssyncadd.s32 $0xFFFFFFB0  }
0x6b: {  	[spmem:s3] =	stream.indirect.scatter.add.f32 [tilespmem:s19], [sflag:$0x5], $0x90, s20, s16, $0xb8;
	[tilespmem:$0x1E140] =	vst v63  }
0x6c: {  	_ =	swait.ge [sflag:s15], $0x2D00  }
0x6d: {  	[sflag:s15] =	ssyncset.done $0x0  }
0x6e: {  	[sflag:s15] =	ssyncadd.s32 $0xFFFFD300  }
0x6f: {  	_ =	swait.ge [sflag:s21], $0x2D00  }
0x70: {  	[sflag:s21] =	ssyncset.done $0x0  }
0x71: {  	[sflag:s21] =	ssyncadd.s32 $0xFFFFD300  }
0x72: {  	_ =	swait.ge [sflag:s22], $0x50  }
0x73: {  	[sflag:s22] =	ssyncset.done $0x0  }
0x74: {  	[sflag:s22] =	ssyncadd.s32 $0xFFFFFFB0  }
0x75: {  	[spmem:s3] =	stream.indirect.scatter.add.f32 [tilespmem:s17], [sflag:$0x5], $0x90, s18, s16, $0xb8;
	[tilespmem:$0x1E140] =	vst v63  }
0x76: {  	_ =	swait.ge [sflag:s15], $0x2D00  }
0x77: {  	s25 =	sadd.s32 $0x1, s25;
	[sflag:s15] =	ssyncset.done $0x0  }
0x78: {  	p0 =	sne.s32 s25, s11;
	[sflag:s15] =	ssyncadd.s32 $0xFFFFD300  }
.Ltmp1:
0x79: {  	[bflag:$0x0] =	sbarrier.arrive $0xFFFF;
	(pc) =	sbr.rel @p0 .LBB2_1-.Ltmp1, $4  }
0x7a: {  	[hbm:s10], [sflag:s7] =	dma.local [spmem:s14], $0x2BF2  }
0x7b: {  	_ =	swait.ge [sflag:s15], $0x2BF2  }
0x7c: {  	[sflag:s15] =	ssyncset.done $0x0  }
0x7d: {  	[sflag:s15] =	ssyncadd.s32 $0xFFFFD40E  }
0x7e: {  	_ =	sfence.sel $0x180000  }
0x7f: {  	[bflag:$0x0] =	sbarrier.arrive $0xFFFF  }
0x80: {  	_ =	strace $0x90000047  }
0x81: {  	[bflag:$0x2] =	sbarrier.arrive $0xFFFF  }
0x82: {  	p0 =	sne.s32 s0, $0x0;
	s0 =	rddreg [dreg:$0x3]  }
0x83: {  	s0 =	sadd.s32 @!p0 $0x100000, s0  }
0x84: {  	[sflag:s0] =	ssyncadd.tile.s32 @!p0 $0x1;
	_ =	shalt  }
.Lfunc_end2:
_tile_overlayer_lowered:
.L_overlay_start_2:
0x85: {  	(tag) =	ssettag $0x2  }
0x86: {  	s0 =	rddreg [dreg:$0x0];
	s2 =	stileid.u32  }
0x87: {  	s1 =	rddreg [dreg:$0x1];
	p0 =	sne.s32 s2, $0x0  }
0x88: {  	s3 =	rddreg [dreg:$0x2];
	[bflag:$0x3] =	sbarrier.arrive $0xFFFF;
	s2 =	simm.s32 @!p0 $0x1C05  }
0x89: {  	[timem:s3], [sflag:s2] =	dma.local @!p0 [hbm:s0], s1  }
0x8a: {  	s0 =	simm.s32 @!p0 $0x5  }
0x8b: {  	_ =	swait.ge @!p0 [sflag:s0], s1  }
0x8c: {  	s1 =	ssub.s32 @!p0 $0x0, s1;
	[sflag:s0] =	ssyncset.done @!p0 $0x0  }
0x8d: {  	[sflag:s0] =	ssyncadd.s32 @!p0 s1  }
0x8e: {  	[bflag:$0x3] =	sbarrier.arrive $0xFFFF  }
0x8f: {  	_ =	shalt  }

// kernel: kernel.9.cloned.1.call-start
scs
__scs_entry_jumppad:
0x0: {  	(pc) =	sbr.rel $0x88, $3  }
0x1: {  	(tag) =	ssettag $0x0;
	lr =	simm.s32 $0x1  }
0x2: {  	[smem:$0x3F99] =	sst lr;
	_ =	strace $0xD0000000  }
0x3: {  	_ = 	snop  }
0x4: {  	_ = 	snop  }
0x5: {  	_ = 	snop  }
0x6: {  	_ = 	snop  }
0x7: {  	_ = 	snop  }
__scs_overlays_trampoline_lowered:
0x8: {  	[smem:$0x3FA8] =	sst s0  }
0x9: {  	[smem:$0x3FA9] =	sst s1  }
0xa: {  	[smem:$0x3FAA] =	sst s2  }
0xb: {  	[smem:$0x3FAB] =	sst s3  }
0xc: {  	[smem:$0x3FAC] =	sst s4  }
0xd: {  	[smem:$0x3FAD] =	sst s5  }
0xe: {  	[smem:$0x3FAE] =	sst s6  }
0xf: {  	[smem:$0x3FAF] =	sst s7  }
0x10: {  	[smem:$0x3FB0] =	sst s8  }
0x11: {  	[smem:$0x3FB1] =	sst s9;
	s0 =	simm.s32 @!p0 $0x0  }
0x12: {  	s1 =	sld [smem:$0x3F97];
	s0 =	simm.s32 @p0 $0x1  }
0x13: {  	[smem:$0x3FB2] =	sst s0;
	s0 =	simm.s32 @!p1 $0x0  }
0x14: {  	s2 =	sld [smem:$0x3F96];
	s0 =	simm.s32 @p1 $0x1  }
0x15: {  	[smem:$0x3FB3] =	sst s0;
	s0 =	simm.s32 @!p2 $0x0  }
0x16: {  	s3 =	sld [smem:$0x3FDB];
	s0 =	simm.s32 @p2 $0x1  }
0x17: {  	s4 =	simm.s32 $0x1BF5;
	[smem:$0x3FB5] =	sst s0  }
0x18: {  	s0 =	sld [smem:$0x3F98];
	_ =	swait.ge [sflag:s4], $0x0  }
0x19: {  	s7 =	sld [smem:$0x3F99]  }
0x1a: {  	s8 =	sadd.s32 $0xFFFFE003, lr  }
0x1b: {  	s9 =	sadd.s32 $0xFFFFFEF7, lr;
	s5 =	simm.s32 $0xFFFFFFFF;
	p2 =	slt.u32 s8, $0xFFFFF086  }
0x1c: {  	p1 =	slt.u32 s9, $0xF7A;
	s5 =	simm.s32 @!p2 $0x0  }
0x1d: {  	s5 =	simm.s32 @p1 $0x1;
	p0 =	seq.s32 s7, s2  }
0x1e: {  	s7 =	smul.u32 @!p0 $0xF7A, s2;
	p2 =	seq.s32 @!p0 s5, $0x0  }
0x1f: {  	s9 =	smul.u32 $0xF7A, s1;
	s8 =	simm.s32 @!p0 $0x1BF5;
	p2 =	por !p2, p0  }
0x20: {  	[sflag:s8] =	ssyncset.s32 @!p0 $0xFFFFF086;
	s6 =	sadd.s32 @!p0 s3, s7;
	s7 =	simm.s32 @!p0 $0x108  }
0x21: {  	s3 =	sadd.s32 s3, s9;
	s6 =	sadd.s32 @!p0 $0x88, s6;
	s7 =	simm.s32 @p2 $0x1082  }
0x22: {  	[simem:s7], [sflag:s8] =	dma.local @!p0 [hbm:s6], $0xF7A  }
0x23: {  	s9 =	sor.u32 $0xD0000000, s2;
	s6 =	simm.s32 $0x108;
	_ =	swait.ge @!p0 [sflag:s8], $0x0  }
0x24: {  	s3 =	sadd.s32 $0x88, s3;
	s6 =	simm.s32 @!p1 $0x1082;
	[sflag:s4] =	ssyncset.s32 $0xFFFFF086  }
0x25: {  	[simem:s6], [sflag:s4] =	dma.local [hbm:s3], $0xF7A  }
0x26: {  	[smem:$0x3F99] =	sst s1;
	(tag) =	ssettag s2;
	_ =	strace s9  }
0x27: {  	s1 =	sld [smem:$0x3FA9]  }
0x28: {  	s2 =	sld [smem:$0x3FAA]  }
0x29: {  	s4 =	sld [smem:$0x3FAC]  }
0x2a: {  	p0 =	seq.s32 s5, $0x0;
	s5 =	sld [smem:$0x3FAD]  }
0x2b: {  	s6 =	sld [smem:$0x3FAE]  }
0x2c: {  	s7 =	sld [smem:$0x3FAF]  }
0x2d: {  	s3 =	simm.s32 $0x108;
	s8 =	sld [smem:$0x3FB0]  }
0x2e: {  	s3 =	simm.s32 @!p0 $0x1082;
	s9 =	sld [smem:$0x3FB1]  }
0x2f: {  	lr =	sadd.s32 s0, s3;
	s0 =	sld [smem:$0x3FA8]  }
0x30: {  	s3 =	sld [smem:$0x3FAB]  }
0x31: {  	[smem:$0x3FB4] =	sst s10  }
0x32: {  	s10 =	sld [smem:$0x3FB2];
	_ =	sdelay $0x3  }
0x33: {  	p0 =	seq.s32 s10, $0x1;
	s10 =	sld [smem:$0x3FB4];
	_ =	sdelay $0x3  }
0x34: {  	[smem:$0x3FB4] =	sst s10  }
0x35: {  	s10 =	sld [smem:$0x3FB3];
	_ =	sdelay $0x3  }
0x36: {  	p1 =	seq.s32 s10, $0x1;
	s10 =	sld [smem:$0x3FB4];
	_ =	sdelay $0x3  }
0x37: {  	[smem:$0x3FB4] =	sst s10  }
0x38: {  	s10 =	sld [smem:$0x3FB5]  }
0x39: {  	_ = 	snop;
	(pc) =	sbr.ind lr, $3  }
0x3a: {  	_ = 	snop  }
0x3b: {  	_ = 	snop  }
0x3c: {  	p2 =	seq.s32 s10, $0x1;
	s10 =	sld [smem:$0x3FB4]  }
0x3d: {  	_ =	shalt  }
0x3e: {  	_ =	shalt  }
0x3f: {  	_ =	shalt  }
0x40: {  	_ =	shalt  }
0x41: {  	_ =	shalt  }
0x42: {  	_ =	shalt  }
0x43: {  	_ =	shalt  }
0x44: {  	_ =	shalt  }
0x45: {  	_ =	shalt  }
0x46: {  	_ =	shalt  }
0x47: {  	_ =	shalt  }
0x48: {  	_ =	shalt  }
0x49: {  	_ =	shalt  }
0x4a: {  	_ =	shalt  }
0x4b: {  	_ =	shalt  }
0x4c: {  	_ =	shalt  }
0x4d: {  	_ =	shalt  }
0x4e: {  	_ =	shalt  }
0x4f: {  	_ =	shalt  }
0x50: {  	_ =	shalt  }
0x51: {  	_ =	shalt  }
0x52: {  	_ =	shalt  }
0x53: {  	_ =	shalt  }
0x54: {  	_ =	shalt  }
0x55: {  	_ =	shalt  }
0x56: {  	_ =	shalt  }
0x57: {  	_ =	shalt  }
0x58: {  	_ =	shalt  }
0x59: {  	_ =	shalt  }
0x5a: {  	_ =	shalt  }
0x5b: {  	_ =	shalt  }
0x5c: {  	_ =	shalt  }
0x5d: {  	_ =	shalt  }
0x5e: {  	_ =	shalt  }
0x5f: {  	_ =	shalt  }
0x60: {  	_ =	shalt  }
0x61: {  	_ =	shalt  }
0x62: {  	_ =	shalt  }
0x63: {  	_ =	shalt  }
0x64: {  	_ =	shalt  }
0x65: {  	_ =	shalt  }
0x66: {  	_ =	shalt  }
0x67: {  	_ =	shalt  }
0x68: {  	_ =	shalt  }
0x69: {  	_ =	shalt  }
0x6a: {  	_ =	shalt  }
0x6b: {  	_ =	shalt  }
0x6c: {  	_ =	shalt  }
0x6d: {  	_ =	shalt  }
0x6e: {  	_ =	shalt  }
0x6f: {  	_ =	shalt  }
0x70: {  	_ =	shalt  }
0x71: {  	_ =	shalt  }
0x72: {  	_ =	shalt  }
0x73: {  	_ =	shalt  }
0x74: {  	_ =	shalt  }
0x75: {  	_ =	shalt  }
0x76: {  	_ =	shalt  }
0x77: {  	_ =	shalt  }
0x78: {  	_ =	shalt  }
0x79: {  	_ =	shalt  }
0x7a: {  	_ =	shalt  }
0x7b: {  	_ =	shalt  }
0x7c: {  	_ =	shalt  }
0x7d: {  	_ =	shalt  }
0x7e: {  	_ =	shalt  }
0x7f: {  	_ =	shalt  }
0x80: {  	_ =	shalt  }
0x81: {  	_ =	shalt  }
0x82: {  	_ =	shalt  }
0x83: {  	_ =	shalt  }
0x84: {  	_ =	shalt  }
0x85: {  	_ =	shalt  }
0x86: {  	_ =	shalt  }
0x87: {  	_ =	shalt  }
.Lfunc_end0:
.L_simem_size_0:
called_computation.1_lowered:
.L_overlay_start_0:
0x88: {  	s2 =	sld [smem:$0x3FD9]  }
0x89: {  	s3 =	sld [smem:$0x3FFE];
	_ =	sdelay $0x1  }
0x8a: {  	s1 =	srdreg.scid  }
0x8b: {  	s0 =	sand.u32 $0x1, s1  }
0x8c: {  	s17 =	sshll.u32 s0, $0xA;
	s2 =	sadd.s32 s3, s2  }
0x8d: {  	s2 =	sadd.s32 s2, s17  }
0x8e: {  	[smem:$0x3FC0] =	sst s2  }
0x8f: {  	_ = 	snop  }
0x90: {  	s2 =	sld [smem:$0x3FD0];
	(tm) =	ssettm $0x1  }
0x91: {  	s18 =	sld [smem:$0x3FFB];
	_ =	sdelay $0x3  }
0x92: {  	_ =	strace s18  }
0x93: {  	s3 =	sld [smem:$0x3FFC];
	_ =	sdelay $0x3  }
0x94: {  	_ =	strace s3  }
0x95: {  	s3 =	sld [smem:$0x3FFD];
	_ =	sdelay $0x3  }
0x96: {  	_ =	strace s3  }
0x97: {  	_ =	strace $0x8FFFFFFF  }
0x98: {  	s19 =	sld [smem:$0x3FDB];
	_ =	sdelay $0x1  }
0x99: {  	s4 =	simm.s32 $_scs_section_size  }
0x9a: {  	s5 =	simm.s32 $_size__tile_overlayer_lowered;
	s6 =	simm.s32 $_tile_overlayer_lowered  }
0x9b: {  	s22 =	simm.s32 $0x1BFF;
	s21 =	sshll.u32 s6, $0x1;
	s3 =	sadd.s32 s4, s19  }
0x9c: {  	s7 =	simm.s32 $0x0;
	s20 =	sshll.u32 s5, $0x1;
	s5 =	sadd.s32 s21, s3  }
0x9d: {  	[timem:s7], [sflag:s22] =	dma.local [hbm:s5], s20  }
0x9e: {  	_ =	swait.ge [sflag:s22], s20  }
0x9f: {  	s4 =	ssub.s32 $0x0, s20;
	[sflag:s22] =	ssyncset.done $0x0  }
0xa0: {  	[sflag:s22] =	ssyncadd.s32 s4;
	_ =	sdelay $0x1  }
0xa1: {  	s23 =	simm.s32 $0x1B8B  }
0xa2: {  	_ =	swait.ge [sflag:s23], $0x1  }
0xa3: {  	[sflag:s23] =	ssyncset.done $0x0  }
0xa4: {  	s25 =	simm.s32 $0x1B8E;
	s24 =	sld [smem:$0x3FFE];
	[sflag:s23] =	ssyncadd.s32 $0xFFFFFFFF  }
0xa5: {  	s26 =	simm.s32 $execute0_lowered;
	[smem:$0x3FD2] =	sst s25  }
0xa6: {  	s5 =	sshll.u32 s26, $0x1;
	_ =	strace $0x80000049;
	[dreg:$0x1] =	wrdreg $0xFFFFFFFF  }
0xa7: {  	s28 =	simm.s32 $_size_execute0_lowered;
	s3 =	sadd.s32 s3, s5;
	[dreg:$0x0] =	wrdreg $0x0  }
0xa8: {  	s5 =	sshll.u32 s28, $0x1;
	[dreg:$0x2] =	wrdreg s3  }
0xa9: {  	[dreg:$0x3] =	wrdreg s5  }
0xaa: {  	[dreg:$0x4] =	wrdreg $0xC0  }
0xab: {  	_ =	task [dreg:s7], $0x5FFFF  }
0xac: {  	[dreg:$0x1] =	wrdreg $0xFFFFFFFF  }
0xad: {  	[dreg:$0x0] =	wrdreg $0x60  }
0xae: {  	[dreg:$0x2] =	wrdreg s24  }
0xaf: {  	[dreg:$0x3] =	wrdreg s2  }
0xb0: {  	[dreg:$0x4] =	wrdreg $0x81B00  }
0xb1: {  	[dreg:$0x5] =	wrdreg $0x9  }
0xb2: {  	_ =	task.clear_ibuf [dreg:s7], $0x6FFFF;
	_ =	strace $0x90000049  }
0xb3: {  	s29 =	simm.s32 $0x9;
	_ =	strace $0x8000004B  }
0xb4: {  	_ =	swait.ge [sflag:s29], $0x1  }
0xb5: {  	[sflag:s29] =	ssyncadd.s32 $0xFFFFFFFF  }
0xb6: {  	_ =	strace $0x9000004B  }
0xb7: {  	_ =	sfence  }
0xb8: {  	s30 =	sld [smem:$0x0];
	_ =	sdelay $0x2  }
0xb9: {  	s31 =	sshll.u32 s1, $0xD;
	s1 =	sshrl.u32 s1, $0x2  }
0xba: {  	s3 =	sand.u32 $0x4000, s31;
	s1 =	sadd.s32 s1, s30  }
0xbb: {  	s0 =	sor.u32 s3, s0;
	s1 =	sshll.u32 s1, $0x11  }
0xbc: {  	s0 =	sor.u32 s1, s0  }
0xbd: {  	s0 =	sadd.s32 $0x8F2B, s0  }
0xbe: {  	[sflag:s0] =	ssyncadd.remote.s32 $0x1  }
0xbf: {  	_ =	sfence.sel $0xFFFF  }
0xc0: {  	[dreg:$0x0] =	wrdreg $0xFFFFFFFF;
	(pc) =	sbr.abs _section_cstart, $3  }
0xc1: {  	[dreg:$0x1] =	wrdreg $0xFFFFFFFF  }
0xc2: {  	_ =	task.clear_ibuf [dreg:s7], $0x2FFFF;
	_ =	strace $0x9FFFFFFF  }
0xc3: {  	(tm) =	ssettm $0x7FFFFFFF  }
tec
execute0_lowered:
.L_overlay_start_1:
0x0: {  	(tag) =	ssettag $0x1  }
0x1: {  	s7 =	rddreg [dreg:$0x0]  }
0x2: {  	s1 =	srdreg.scid;
	s2 =	rddreg [dreg:$0x1]  }
0x3: {  	s0 =	stileid.u32;
	s3 =	rddreg [dreg:$0x2]  }
0x4: {  	s4 =	simm.s32 $0x0;
	s16 =	simm.s32 $0x50;
	s17 =	simm.s32 $0x27B0  }
0x5: {  	s18 =	simm.s32 $0x2710;
	s19 =	simm.s32 $0x54B0;
	s20 =	simm.s32 $0x2760  }
0x6: {  	s21 =	simm.s32 $0x1;
	s22 =	simm.s32 $0x3;
	s23 =	simm.s32 $0x2  }
0x7: {  	s24 =	simm.s32 $0x4;
	s25 =	simm.s32 $0x0;
	s8 =	smul.u32 $0x15F90, s0  }
0x8: {  	s6 =	sand.u32 $0x1, s1;
	s26 =	sshll.u32 s0, $0x1;
	s13 =	smul.u32 $0x4E20, s0  }
0x9: {  	[smem:$0x7FF] =	sst s4;
	s29 =	sshll.u32 s0, $0x6;
	s10 =	smul.u32 $0x15F900, s6  }
0xa: {  	s1 =	sor.u32 s6, s26;
	_ =	strace $0x8000004A;
	s15 =	smul.u32 $0x2710, s6  }
0xb: {  	s12 =	ssub.s32 $0x2, s6;
	s6 =	sadd.s32 $0x36C00, s7;
	s5 =	smul.u32 $0x2710, s1  }
0xc: {  	s14 =	sshrl.u32 s12, $0x1;
	s28 =	sadd.s32 s8, s3;
	s10 =	sadd.s32 s8, s10  }
0xd: {  	s12 =	ssub.s32 s12, s14;
	s13 =	sadd.s32 s15, s13;
	s14 =	sshrl.u32 s28, $0x3  }
0xe: {  	s15 =	simm.s32 $0x5;
	s9 =	sshrl.u32 s5, $0x3;
	s5 =	sadd.s32 $0xAC00, s7  }
0xf: {  	s10 =	sshrl.u32 s10, $0x3;
	s30 =	sadd.s32 $0x50, s13;
	s11 =	sadd.s32 s9, s7  }
0x10: {  	s10 =	sadd.s32 s10, s7;
	s7 =	sor.u32 $0x1C05, s29;
	s9 =	sadd.s32 s2, s9  }
0x11: {  	s31 =	sshrl.u32 s30, $0x3;
	s8 =	sadd.s32 $0xE00, s11;
	s10 =	sadd.s32 $0x39800, s10  }
0x12: {  	s11 =	smax.u32 s12, $0x1;
	s12 =	sadd.s32 $0xA0, s13;
	s13 =	sadd.s32 s31, s2  }
.LBB2_1:
0x13: {  	[spmem:s14], [sflag:s7] =	dma.local [hbm:s6], $0x2BF2  }
0x14: {  	_ =	swait.ge [sflag:s15], $0x2BF2  }
0x15: {  	[sflag:s15] =	ssyncset.done $0x0  }
0x16: {  	[sflag:s15] =	ssyncadd.s32 $0xFFFFD40E  }
0x17: {  	[tilespmem:s4], [sflag:$0x5] =	stream.linear.gather [hbm4b:s8+s4], $0x2710, $0x38;
	[tilespmem:$0x1E140] =	vst v63  }
0x18: {  	_ =	swait.ge [sflag:s15], $0x2710  }
0x19: {  	[sflag:s15] =	ssyncset.done $0x0  }
0x1a: {  	[sflag:s15] =	ssyncadd.s32 $0xFFFFD8F0  }
0x1b: {  	[bflag:$0x0] =	sbarrier.arrive $0xFFFF  }
0x1c: {  	[tilespmem:s17], [sflag:$0x1] =	stream.indirect.gather [hbm4b:s5+s16], $0x90, s4, s16, $0xb8;
	[tilespmem:$0x1E140] =	vst v63  }
0x1d: {  	_ = 	snop  }
0x1e: {  	[tilespmem:s18], [sflag:$0x3] =	stream.linear.gather [hbm4b:s9+s4], $0x50, $0x38;
	[tilespmem:$0x1E140] =	vst v63  }
0x1f: {  	s26 =	simm.s32 $0x50  }
0x20: {  	[tilespmem:s19], [sflag:$0x2] =	stream.indirect.gather [hbm4b:s5+s16], $0x90, s26, s16, $0xb8;
	[tilespmem:$0x1E140] =	vst v63  }
0x21: {  	s31 =	sadd.s32 $0x0, s13  }
0x22: {  	[tilespmem:s20], [sflag:$0x4] =	stream.linear.gather [hbm4b:s31+s4], $0x50, $0x38;
	[tilespmem:$0x1E140] =	vst v63  }
0x23: {  	_ =	swait.ge [sflag:s21], $0x2D00  }
0x24: {  	[sflag:s21] =	ssyncset.done $0x0  }
0x25: {  	[sflag:s21] =	ssyncadd.s32 $0xFFFFD300  }
0x26: {  	_ =	swait.ge [sflag:s22], $0x50  }
0x27: {  	[sflag:s22] =	ssyncset.done $0x0  }
0x28: {  	[sflag:s22] =	ssyncadd.s32 $0xFFFFFFB0  }
0x29: {  	[spmem:s3] =	stream.indirect.scatter.add.f32 [tilespmem:s17], [sflag:$0x5], $0x90, s18, s16, $0xb8;
	[tilespmem:$0x1E140] =	vst v63  }
0x2a: {  	_ =	swait.ge [sflag:s15], $0x2D00  }
0x2b: {  	[sflag:s15] =	ssyncset.done $0x0  }
0x2c: {  	s1 =	simm.s32 $0xA0;
	s28 =	sshrl.u32 s12, $0x3;
	[sflag:s15] =	ssyncadd.s32 $0xFFFFD300  }
0x2d: {  	[tilespmem:s17], [sflag:$0x1] =	stream.indirect.gather [hbm4b:s5+s16], $0x90, s1, s16, $0xb8;
	[tilespmem:$0x1E140] =	vst v63  }
0x2e: {  	s31 =	sadd.s32 s2, s28  }
0x2f: {  	[tilespmem:s18], [sflag:$0x3] =	stream.linear.gather [hbm4b:s31+s4], $0x50, $0x38;
	[tilespmem:$0x1E140] =	vst v63  }
0x30: {  	_ =	swait.ge [sflag:s23], $0x2D00  }
0x31: {  	[sflag:s23] =	ssyncset.done $0x0  }
0x32: {  	[sflag:s23] =	ssyncadd.s32 $0xFFFFD300  }
0x33: {  	_ =	swait.ge [sflag:s24], $0x50  }
0x34: {  	[sflag:s24] =	ssyncset.done $0x0  }
0x35: {  	[sflag:s24] =	ssyncadd.s32 $0xFFFFFFB0  }
0x36: {  	[spmem:s3] =	stream.indirect.scatter.add.f32 [tilespmem:s19], [sflag:$0x5], $0x90, s20, s16, $0xb8;
	[tilespmem:$0x1E140] =	vst v63  }
0x37: {  	s29 =	simm.s32 $0x14;
	s30 =	simm.s32 $0x28;
	_ =	swait.ge [sflag:s15], $0x2D00  }
0x38: {  	s26 =	simm.s32 $0x140;
	s28 =	smov.u32 s12;
	[sflag:s15] =	ssyncset.done $0x0  }
.LBB2_2:
0x39: {  	s31 =	sadd.s32 $0xFFFFFFB0, s26  }
0x3a: {  	[sflag:s15] =	ssyncadd.s32 $0xFFFFD300;
	s28 =	sadd.s32 $0xA0, s28;
	s1 =	smov.u32 s30  }
0x3b: {  	[tilespmem:s19], [sflag:$0x2] =	stream.indirect.gather [hbm4b:s5+s16], $0x90, s31, s16, $0xb8;
	[tilespmem:$0x1E140] =	vst v63  }
0x3c: {  	p0 =	sne.s32 s30, $0x4C4;
	s30 =	sadd.s32 $0x14, s30;
	s29 =	sadd.s32 s29, s13  }
0x3d: {  	[tilespmem:s20], [sflag:$0x4] =	stream.linear.gather [hbm4b:s29+s4], $0x50, $0x38;
	[tilespmem:$0x1E140] =	vst v63  }
0x3e: {  	s29 =	smov.u32 s1;
	_ =	swait.ge [sflag:s21], $0x2D00  }
0x3f: {  	[sflag:s21] =	ssyncset.done $0x0  }
0x40: {  	[sflag:s21] =	ssyncadd.s32 $0xFFFFD300  }
0x41: {  	_ =	swait.ge [sflag:s22], $0x50  }
0x42: {  	[sflag:s22] =	ssyncset.done $0x0  }
0x43: {  	[sflag:s22] =	ssyncadd.s32 $0xFFFFFFB0  }
0x44: {  	[spmem:s3] =	stream.indirect.scatter.add.f32 [tilespmem:s17], [sflag:$0x5], $0x90, s18, s16, $0xb8;
	[tilespmem:$0x1E140] =	vst v63  }
0x45: {  	_ =	swait.ge [sflag:s15], $0x2D00  }
0x46: {  	[sflag:s15] =	ssyncset.done $0x0  }
0x47: {  	s1 =	sshrl.u32 s28, $0x3;
	[sflag:s15] =	ssyncadd.s32 $0xFFFFD300  }
0x48: {  	[tilespmem:s17], [sflag:$0x1] =	stream.indirect.gather [hbm4b:s5+s16], $0x90, s26, s16, $0xb8;
	[tilespmem:$0x1E140] =	vst v63  }
0x49: {  	s1 =	sadd.s32 s2, s1  }
0x4a: {  	[tilespmem:s18], [sflag:$0x3] =	stream.linear.gather [hbm4b:s1+s4], $0x50, $0x38;
	[tilespmem:$0x1E140] =	vst v63  }
0x4b: {  	_ =	swait.ge [sflag:s23], $0x2D00  }
0x4c: {  	[sflag:s23] =	ssyncset.done $0x0  }
0x4d: {  	[sflag:s23] =	ssyncadd.s32 $0xFFFFD300  }
0x4e: {  	_ =	swait.ge [sflag:s24], $0x50  }
.Ltmp0:
0x4f: {  	[sflag:s24] =	ssyncset.done $0x0;
	(pc) =	sbr.rel @p0 .LBB2_2-.Ltmp0, $4  }
0x50: {  	[sflag:s24] =	ssyncadd.s32 $0xFFFFFFB0  }
0x51: {  	[spmem:s3] =	stream.indirect.scatter.add.f32 [tilespmem:s19], [sflag:$0x5], $0x90, s20, s16, $0xb8;
	[tilespmem:$0x1E140] =	vst v63  }
0x52: {  	_ =	swait.ge [sflag:s15], $0x2D00  }
0x53: {  	s26 =	sadd.s32 $0xA0, s26;
	[sflag:s15] =	ssyncset.done $0x0  }
0x54: {  	s1 =	sadd.s32 $0xFFFFFFB0, s26;
	[sflag:s15] =	ssyncadd.s32 $0xFFFFD300  }
0x55: {  	[tilespmem:s19], [sflag:$0x2] =	stream.indirect.gather [hbm4b:s5+s16], $0x90, s1, s16, $0xb8;
	[tilespmem:$0x1E140] =	vst v63  }
0x56: {  	s30 =	sadd.s32 s29, s13  }
0x57: {  	[tilespmem:s20], [sflag:$0x4] =	stream.linear.gather [hbm4b:s30+s4], $0x50, $0x38;
	[tilespmem:$0x1E140] =	vst v63  }
0x58: {  	_ =	swait.ge [sflag:s21], $0x2D00  }
0x59: {  	[sflag:s21] =	ssyncset.done $0x0  }
0x5a: {  	[sflag:s21] =	ssyncadd.s32 $0xFFFFD300  }
0x5b: {  	_ =	swait.ge [sflag:s22], $0x50  }
0x5c: {  	[sflag:s22] =	ssyncset.done $0x0  }
0x5d: {  	[sflag:s22] =	ssyncadd.s32 $0xFFFFFFB0  }
0x5e: {  	[spmem:s3] =	stream.indirect.scatter.add.f32 [tilespmem:s17], [sflag:$0x5], $0x90, s18, s16, $0xb8;
	[tilespmem:$0x1E140] =	vst v63  }
0x5f: {  	_ =	swait.ge [sflag:s15], $0x2D00  }
0x60: {  	s31 =	sadd.s32 $0xA0, s28;
	[sflag:s15] =	ssyncset.done $0x0  }
0x61: {  	s1 =	sshrl.u32 s31, $0x3;
	[sflag:s15] =	ssyncadd.s32 $0xFFFFD300  }
0x62: {  	[tilespmem:s17], [sflag:$0x1] =	stream.indirect.gather [hbm4b:s5+s16], $0x90, s26, s16, $0xb8;
	[tilespmem:$0x1E140] =	vst v63  }
0x63: {  	s1 =	sadd.s32 s2, s1  }
0x64: {  	[tilespmem:s18], [sflag:$0x3] =	stream.linear.gather [hbm4b:s1+s4], $0x50, $0x38;
	[tilespmem:$0x1E140] =	vst v63  }
0x65: {  	_ =	swait.ge [sflag:s23], $0x2D00  }
0x66: {  	[sflag:s23] =	ssyncset.done $0x0  }
0x67: {  	[sflag:s23] =	ssyncadd.s32 $0xFFFFD300  }
0x68: {  	_ =	swait.ge [sflag:s24], $0x50  }
0x69: {  	[sflag:s24] =	ssyncset.done $0x0  }
0x6a: {  	[sflag:s24] =	ssyncadd.s32 $0xFFFFFFB0  }
0x6b: {  	[spmem:s3] =	stream.indirect.scatter.add.f32 [tilespmem:s19], [sflag:$0x5], $0x90, s20, s16, $0xb8;
	[tilespmem:$0x1E140] =	vst v63  }
0x6c: {  	_ =	swait.ge [sflag:s15], $0x2D00  }
0x6d: {  	[sflag:s15] =	ssyncset.done $0x0  }
0x6e: {  	[sflag:s15] =	ssyncadd.s32 $0xFFFFD300  }
0x6f: {  	_ =	swait.ge [sflag:s21], $0x2D00  }
0x70: {  	[sflag:s21] =	ssyncset.done $0x0  }
0x71: {  	[sflag:s21] =	ssyncadd.s32 $0xFFFFD300  }
0x72: {  	_ =	swait.ge [sflag:s22], $0x50  }
0x73: {  	[sflag:s22] =	ssyncset.done $0x0  }
0x74: {  	[sflag:s22] =	ssyncadd.s32 $0xFFFFFFB0  }
0x75: {  	[spmem:s3] =	stream.indirect.scatter.add.f32 [tilespmem:s17], [sflag:$0x5], $0x90, s18, s16, $0xb8;
	[tilespmem:$0x1E140] =	vst v63  }
0x76: {  	_ =	swait.ge [sflag:s15], $0x2D00  }
0x77: {  	s25 =	sadd.s32 $0x1, s25;
	[sflag:s15] =	ssyncset.done $0x0  }
0x78: {  	p0 =	sne.s32 s25, s11;
	[sflag:s15] =	ssyncadd.s32 $0xFFFFD300  }
.Ltmp1:
0x79: {  	[bflag:$0x0] =	sbarrier.arrive $0xFFFF;
	(pc) =	sbr.rel @p0 .LBB2_1-.Ltmp1, $4  }
0x7a: {  	[hbm:s10], [sflag:s7] =	dma.local [spmem:s14], $0x2BF2  }
0x7b: {  	_ =	swait.ge [sflag:s15], $0x2BF2  }
0x7c: {  	[sflag:s15] =	ssyncset.done $0x0  }
0x7d: {  	[sflag:s15] =	ssyncadd.s32 $0xFFFFD40E  }
0x7e: {  	_ =	sfence.sel $0x180000  }
0x7f: {  	[bflag:$0x0] =	sbarrier.arrive $0xFFFF  }
0x80: {  	_ =	strace $0x9000004A  }
0x81: {  	[bflag:$0x2] =	sbarrier.arrive $0xFFFF  }
0x82: {  	p0 =	sne.s32 s0, $0x0;
	s0 =	rddreg [dreg:$0x3]  }
0x83: {  	s0 =	sadd.s32 @!p0 $0x100000, s0  }
0x84: {  	[sflag:s0] =	ssyncadd.tile.s32 @!p0 $0x1;
	_ =	shalt  }
.Lfunc_end2:
_tile_overlayer_lowered:
.L_overlay_start_2:
0x85: {  	(tag) =	ssettag $0x2  }
0x86: {  	s0 =	rddreg [dreg:$0x0];
	s2 =	stileid.u32  }
0x87: {  	s1 =	rddreg [dreg:$0x1];
	p0 =	sne.s32 s2, $0x0  }
0x88: {  	s3 =	rddreg [dreg:$0x2];
	[bflag:$0x3] =	sbarrier.arrive $0xFFFF;
	s2 =	simm.s32 @!p0 $0x1C05  }
0x89: {  	[timem:s3], [sflag:s2] =	dma.local @!p0 [hbm:s0], s1  }
0x8a: {  	s0 =	simm.s32 @!p0 $0x5  }
0x8b: {  	_ =	swait.ge @!p0 [sflag:s0], s1  }
0x8c: {  	s1 =	ssub.s32 @!p0 $0x0, s1;
	[sflag:s0] =	ssyncset.done @!p0 $0x0  }
0x8d: {  	[sflag:s0] =	ssyncadd.s32 @!p0 s1  }
0x8e: {  	[bflag:$0x3] =	sbarrier.arrive $0xFFFF  }
0x8f: {  	_ =	shalt  }

</sc_bundles>
